<compile_context>
chip_gen: v7x
topology: tpu7x:2x2x1
jax: 0.10.2.dev20260603
libtpu: 0.0.44.dev20260713+nightly
codegen_flags: <defaults>
</compile_context>

<pallas_src>
import functools

import jax
import jax.numpy as jnp
from jax.experimental import pallas as pl
from jax.experimental.pallas import tpu as pltpu
from jax.experimental.pallas import tpu_sc as plsc

_BATCH = 64
_TOPK = 512
_DIM = 1024
_HID = 2048
_MEM = 128
_BB1 = 8
_BB2 = 4
_NSLICE = 2
_SB = _BATCH // _NSLICE
_NIDX_S = _SB * _MEM
_NC = 2
_NW = 32
_BPW = _NIDX_S // _NW
_CH = 32
_NCH = _BPW // _CH


def _topk_kernel(w_ref, idx_ref, sw_ref):
    w = jnp.maximum(w_ref[...], 0.0)
    s = jnp.maximum(jnp.sum(w, axis=2, keepdims=True), 1e-6)
    wn = w / s

    wn_col = jnp.transpose(wn, (0, 2, 1))
    wi = jnp.broadcast_to(wn_col, (_BB1, _TOPK, _TOPK))
    wj = jnp.broadcast_to(wn, (_BB1, _TOPK, _TOPK))
    ii = jax.lax.broadcasted_iota(jnp.int32, (1, _TOPK, _TOPK), 1)
    jj = jax.lax.broadcasted_iota(jnp.int32, (1, _TOPK, _TOPK), 2)
    tie_ok = ii < jj
    beats = (wi > wj) | ((wi == wj) & tie_ok)
    rank = jnp.sum(beats.astype(jnp.int32), axis=1, keepdims=True)

    t_iota = jax.lax.broadcasted_iota(jnp.int32, (_BB1, _MEM, _TOPK), 1)
    eq = jnp.broadcast_to(rank, (_BB1, _MEM, _TOPK)) == t_iota

    sw_ref[...] = jnp.sum(
        jnp.where(eq, jnp.broadcast_to(wn, (_BB1, _MEM, _TOPK)), 0.0),
        axis=2)

    j_i = jax.lax.broadcasted_iota(jnp.int32, (_BB1, _MEM, _TOPK), 2)
    idx_local = jnp.sum(jnp.where(eq, j_i, 0), axis=2)
    base = (pl.program_id(0) * _BB1
            + jax.lax.broadcasted_iota(jnp.int32, (_BB1, _MEM), 0)) * _TOPK
    idx_ref[...] = idx_local + base


def _run_topk(w_slice):
    return pl.pallas_call(
        _topk_kernel,
        grid=(_SB // _BB1,),
        in_specs=[pl.BlockSpec((_BB1, 1, _TOPK), lambda i: (i, 0, 0))],
        out_specs=[
            pl.BlockSpec((_BB1, _MEM), lambda i: (i, 0)),
            pl.BlockSpec((_BB1, _MEM), lambda i: (i, 0)),
        ],
        out_shape=[
            jax.ShapeDtypeStruct((_SB, _MEM), jnp.int32),
            jax.ShapeDtypeStruct((_SB, _MEM), jnp.float32),
        ],
        compiler_params=pltpu.CompilerParams(
            dimension_semantics=("arbitrary",),
        ),
    )(w_slice)


def _sc_gather(e_flat, idx_flat):
    mesh = plsc.VectorSubcoreMesh(core_axis_name="c", subcore_axis_name="s")

    @functools.partial(
        pl.kernel, mesh=mesh,
        out_type=jax.ShapeDtypeStruct((_NIDX_S, _DIM), jnp.float32),
        scratch_types=[
            pltpu.VMEM((_CH,), jnp.int32),
            pltpu.VMEM((_CH,), jnp.int32),
            pltpu.VMEM((_CH, _DIM), jnp.float32),
            pltpu.VMEM((_CH, _DIM), jnp.float32),
            pltpu.SemaphoreType.DMA,
            pltpu.SemaphoreType.DMA,
            pltpu.SemaphoreType.DMA,
            pltpu.SemaphoreType.DMA,
        ],
    )
    def k(table_hbm, idx_hbm, out_hbm, iv0, iv1, rv0, rv1, gs0, gs1,
          ws0, ws1):
        wid = jax.lax.axis_index("s") * _NC + jax.lax.axis_index("c")
        base = wid * _BPW
        iv = (iv0, iv1)
        rv = (rv0, rv1)
        gsem = (gs0, gs1)
        wsem = (ws0, ws1)

        def start_gather(c, buf):
            off = base + c * _CH
            pltpu.sync_copy(idx_hbm.at[pl.ds(off, _CH)], iv[buf])
            return pltpu.async_copy(table_hbm.at[iv[buf]], rv[buf],
                                    gsem[buf])

        g = [start_gather(0, 0), None]
        w = [None, None]
        for c in range(_NCH):
            buf, nbuf = c & 1, (c + 1) & 1
            if c + 1 < _NCH:
                if w[nbuf] is not None:
                    w[nbuf].wait()
                g[nbuf] = start_gather(c + 1, nbuf)
            g[buf].wait()
            w[buf] = pltpu.async_copy(
                rv[buf], out_hbm.at[pl.ds(base + c * _CH, _CH)], wsem[buf])
        w[(_NCH - 1) & 1].wait()
        if _NCH > 1:
            w[_NCH & 1].wait()

    return k(e_flat, idx_flat)


def _proj_kernel(sel_ref, sw_ref, wt_ref, b_ref, g_ref, bt_ref, out_ref):
    sel = jnp.clip(sel_ref[...], -5.0, 5.0)
    tokens = jax.lax.dot_general(
        sel, wt_ref[...], (((1,), (1,)), ((), ())),
        preferred_element_type=jnp.float32,
        precision=jax.lax.Precision.DEFAULT)
    tokens = (tokens + b_ref[...]) * sw_ref[...]
    tokens = jnp.clip(tokens, -5.0, 5.0)
    mean = jnp.mean(tokens, axis=-1, keepdims=True)
    cent = tokens - mean
    var = jnp.mean(cent * cent, axis=-1, keepdims=True)
    out = cent * jax.lax.rsqrt(var + 1e-5) * g_ref[...] + bt_ref[...]
    out_ref[...] = out.reshape(_BB2, _MEM, _HID)


def _run_proj(sel, sw2, W, b2, g2, bt2, s, out_prev):
    specs = [
        pl.BlockSpec((_BB2 * _MEM, _DIM), lambda i: (i, 0)),
        pl.BlockSpec((_BB2 * _MEM, 1), lambda i: (i, 0)),
        pl.BlockSpec((_HID, _DIM), lambda i: (0, 0)),
        pl.BlockSpec((1, _HID), lambda i: (0, 0)),
        pl.BlockSpec((1, _HID), lambda i: (0, 0)),
        pl.BlockSpec((1, _HID), lambda i: (0, 0)),
    ]
    args = [sel, sw2, W, b2, g2, bt2]
    kwargs = {}
    kern = _proj_kernel
    if out_prev is not None:
        specs.append(pl.BlockSpec(memory_space=pl.ANY))
        args.append(out_prev)
        kwargs["input_output_aliases"] = {6: 0}
        kern = lambda *refs: _proj_kernel(*refs[:6], refs[7])
    base = s * (_SB // _BB2)
    return pl.pallas_call(
        kern,
        grid=(_SB // _BB2,),
        in_specs=specs,
        out_specs=pl.BlockSpec((_BB2, _MEM, _HID),
                               lambda i: (i + base, 0, 0)),
        out_shape=jax.ShapeDtypeStruct((_BATCH, _MEM, _HID), jnp.float32),
        compiler_params=pltpu.CompilerParams(
            dimension_semantics=("arbitrary",),
        ),
        **kwargs,
    )(*args)


@jax.jit
def kernel(image_embeds, weights, W, b, gamma, beta):
    b2 = b.reshape(1, _HID)
    g2 = gamma.reshape(1, _HID)
    bt2 = beta.reshape(1, _HID)
    w3 = weights.reshape(_BATCH, 1, _TOPK)
    e_flat = image_embeds.reshape(_BATCH * _TOPK, _DIM)

    sels, sws = [], []
    for s in range(_NSLICE):
        idx, sw = _run_topk(
            jax.lax.slice_in_dim(w3, s * _SB, (s + 1) * _SB, axis=0))
        sels.append(_sc_gather(
            e_flat, (idx + s * _SB * _TOPK).reshape(_NIDX_S)))
        sws.append(sw.reshape(_NIDX_S, 1))

    out = None
    for s in range(_NSLICE):
        out = _run_proj(sels[s], sws[s], W, b2, g2, bt2, s, out)
    return out

# --- scband reference (transcript-rebuilt; emitter-appended) ---
"""Pipeline reference for scband-visual-memory-tokens-64458869178392 (READ-ONLY COPY).

The authoritative reference and input builder live on the scoring server;
editing this copy changes nothing except your own understanding.
"""

import jax, jax.numpy as jnp
import numpy as np

BATCH = 64
TOP_K = 512
IMAGE_DIM = 1024
HIDDEN_DIM = 2048
MEMORY_LEN = 128


def setup_inputs(seed: int = 0) -> dict:
    key = jax.random.key(seed)
    k1, k2, k3 = jax.random.split(key, 3)
    image_embeds = jax.random.normal(k1, (BATCH, TOP_K, IMAGE_DIM), dtype=jnp.float32)
    weights = jax.random.uniform(k2, (BATCH, TOP_K), dtype=jnp.float32)
    W = jax.random.normal(k3, (HIDDEN_DIM, IMAGE_DIM), dtype=jnp.float32) * 0.02
    b = jnp.zeros((HIDDEN_DIM,), dtype=jnp.float32)
    gamma = jnp.ones((HIDDEN_DIM,), dtype=jnp.float32)
    beta = jnp.zeros((HIDDEN_DIM,), dtype=jnp.float32)
    return {"image_embeds": image_embeds, "weights": weights, "W": W, "b": b, "gamma": gamma, "beta": beta}


def reference(image_embeds, weights, W, b, gamma, beta):
    batch, top_k, dim = image_embeds.shape
    w = jnp.nan_to_num(weights, nan=0.0, posinf=0.0, neginf=0.0)
    w = jnp.maximum(w, 0.0)
    w = w / jnp.maximum(jnp.sum(w, axis=1, keepdims=True), 1e-6)
    take = min(MEMORY_LEN, top_k)
    _, indices = jax.lax.top_k(w, take)
    selected = jnp.take_along_axis(image_embeds, indices[:, :, None], axis=1)
    selected_weights = jnp.take_along_axis(w, indices, axis=1)
    selected = jnp.nan_to_num(selected, nan=0.0, posinf=0.0, neginf=0.0)
    selected = jnp.clip(selected, -5.0, 5.0)
    tokens = jnp.einsum('btd,hd->bth', selected, W) + b
    tokens = tokens * selected_weights[:, :, None]
    tokens = jnp.nan_to_num(tokens, nan=0.0, posinf=0.0, neginf=0.0)
    tokens = jnp.clip(tokens, -5.0, 5.0)
    if MEMORY_LEN > take:
        pad = jnp.zeros((batch, MEMORY_LEN - take, tokens.shape[-1]), dtype=tokens.dtype)
        tokens = jnp.concatenate([tokens, pad], axis=1)
    mean = jnp.mean(tokens, axis=-1, keepdims=True)
    var = jnp.mean(jnp.square(tokens - mean), axis=-1, keepdims=True)
    out = (tokens - mean) / jnp.sqrt(var + 1e-5) * gamma + beta
    return out

if __name__ == "__main__":
    import jax
    _d = setup_inputs()
    print(jax.jit(kernel)(*tuple(_d.values())))

</pallas_src>

<mosaic_0001>
#map = affine_map<(d0, d1) -> (0, 0)>
#map1 = affine_map<(d0, d1) -> (0)>
module attributes {stable_mosaic.version = 14 : i64} {
  func.func @k(%arg0: i32, %arg1: i32, %arg2: memref<32768x1024xf32, #tpu.memory_space<hbm>>, %arg3: memref<4096xi32, #tpu.memory_space<hbm>>, %arg4: memref<4096x1024xf32, #tpu.memory_space<hbm>>, %arg5: memref<32xi32, #tpu.memory_space<vmem>>, %arg6: memref<32xi32, #tpu.memory_space<vmem>>, %arg7: memref<32x1024xf32, #tpu.memory_space<vmem>>, %arg8: memref<32x1024xf32, #tpu.memory_space<vmem>>, %arg9: memref<!tpu.dma_semaphore, #tpu.memory_space<semaphore_mem>>, %arg10: memref<!tpu.dma_semaphore, #tpu.memory_space<semaphore_mem>>, %arg11: memref<!tpu.dma_semaphore, #tpu.memory_space<semaphore_mem>>, %arg12: memref<!tpu.dma_semaphore, #tpu.memory_space<semaphore_mem>>) attributes {dimension_semantics = [#tpu.dimension_semantics<core_parallel>, #tpu.dimension_semantics<subcore_parallel>], iteration_bounds = array<i64: 2, 16>, scalar_prefetch = 0 : i64, scratch_operands = 8 : i64, tpu.core_type = #tpu.core_type<sc_vector_subcore>, window_params = [{transform_indices = #map}, {transform_indices = #map1}, {transform_indices = #map}]} {
    %mul3A = arith.constant 2 : i32
    %mul3A_0 = arith.muli %arg1, %mul3A : i32
    %add3A = arith.addi %mul3A_0, %arg0 : i32
    %mul3A_1 = arith.constant 128 : i32
    %mul3A_2 = arith.muli %add3A, %mul3A_1 : i32
    %add3A_3 = arith.constant 0 : i32
    %add3A_4 = arith.addi %mul3A_2, %add3A_3 : i32
    "tpu.region"() ({
      %run_scoped3A = tpu.sem_alloc : memref<!tpu.dma_semaphore, #tpu.memory_space<semaphore_mem>>
      %dma_start3A_73 = tpu.memref_slice %arg3[%add3A_4] : memref<4096xi32, #tpu.memory_space<hbm>> -> memref<32xi32, #tpu.memory_space<hbm>>
      %dma_start3A_74 = tpu.memref_slice %arg3[%add3A_4] : memref<4096xi32, #tpu.memory_space<hbm>> -> memref<32xi32, #tpu.memory_space<hbm>>
      tpu.enqueue_dma source(%dma_start3A_74 : memref<32xi32, #tpu.memory_space<hbm>>) target(%arg5 : memref<32xi32, #tpu.memory_space<vmem>>) target_semaphore(%run_scoped3A : memref<!tpu.dma_semaphore, #tpu.memory_space<semaphore_mem>>)
      %dma_wait3A_75 = tpu.memref_slice %arg3[%add3A_4] : memref<4096xi32, #tpu.memory_space<hbm>> -> memref<32xi32, #tpu.memory_space<hbm>>
      %dma_wait3A_76 = tpu.memref_slice %arg3[%add3A_4] : memref<4096xi32, #tpu.memory_space<hbm>> -> memref<32xi32, #tpu.memory_space<hbm>>
      tpu.wait_dma2 semaphore(%run_scoped3A : memref<!tpu.dma_semaphore, #tpu.memory_space<semaphore_mem>>) src(%dma_wait3A_76 : memref<32xi32, #tpu.memory_space<hbm>>) dst(%arg5 : memref<32xi32, #tpu.memory_space<vmem>>)
      tpu.yield
    }) : () -> ()
    %dma_start3A = arith.constant 0 : i32
    %dma_start3A_5 = arith.constant 0 : i32
    %dma_start3A_6 = tpu.memref_slice %arg2[%dma_start3A, %dma_start3A_5] : memref<32768x1024xf32, #tpu.memory_space<hbm>> -> memref<32768x1024xf32, #tpu.memory_space<hbm>>
    tpu.enqueue_indirect_dma source(%dma_start3A_6 : memref<32768x1024xf32, #tpu.memory_space<hbm>>) target(%arg7 : memref<32x1024xf32, #tpu.memory_space<vmem>>) offsets(%arg5 : memref<32xi32, #tpu.memory_space<vmem>>) semaphore(%arg9 : memref<!tpu.dma_semaphore, #tpu.memory_space<semaphore_mem>>)
    %add3A_7 = arith.constant 32 : i32
    %add3A_8 = arith.addi %mul3A_2, %add3A_7 : i32
    "tpu.region"() ({
      %run_scoped3A = tpu.sem_alloc : memref<!tpu.dma_semaphore, #tpu.memory_space<semaphore_mem>>
      %dma_start3A_73 = tpu.memref_slice %arg3[%add3A_8] : memref<4096xi32, #tpu.memory_space<hbm>> -> memref<32xi32, #tpu.memory_space<hbm>>
      %dma_start3A_74 = tpu.memref_slice %arg3[%add3A_8] : memref<4096xi32, #tpu.memory_space<hbm>> -> memref<32xi32, #tpu.memory_space<hbm>>
      tpu.enqueue_dma source(%dma_start3A_74 : memref<32xi32, #tpu.memory_space<hbm>>) target(%arg6 : memref<32xi32, #tpu.memory_space<vmem>>) target_semaphore(%run_scoped3A : memref<!tpu.dma_semaphore, #tpu.memory_space<semaphore_mem>>)
      %dma_wait3A_75 = tpu.memref_slice %arg3[%add3A_8] : memref<4096xi32, #tpu.memory_space<hbm>> -> memref<32xi32, #tpu.memory_space<hbm>>
      %dma_wait3A_76 = tpu.memref_slice %arg3[%add3A_8] : memref<4096xi32, #tpu.memory_space<hbm>> -> memref<32xi32, #tpu.memory_space<hbm>>
      tpu.wait_dma2 semaphore(%run_scoped3A : memref<!tpu.dma_semaphore, #tpu.memory_space<semaphore_mem>>) src(%dma_wait3A_76 : memref<32xi32, #tpu.memory_space<hbm>>) dst(%arg6 : memref<32xi32, #tpu.memory_space<vmem>>)
      tpu.yield
    }) : () -> ()
    %dma_start3A_9 = arith.constant 0 : i32
    %dma_start3A_10 = arith.constant 0 : i32
    %dma_start3A_11 = tpu.memref_slice %arg2[%dma_start3A_9, %dma_start3A_10] : memref<32768x1024xf32, #tpu.memory_space<hbm>> -> memref<32768x1024xf32, #tpu.memory_space<hbm>>
    tpu.enqueue_indirect_dma source(%dma_start3A_11 : memref<32768x1024xf32, #tpu.memory_space<hbm>>) target(%arg8 : memref<32x1024xf32, #tpu.memory_space<vmem>>) offsets(%arg6 : memref<32xi32, #tpu.memory_space<vmem>>) semaphore(%arg10 : memref<!tpu.dma_semaphore, #tpu.memory_space<semaphore_mem>>)
    %dma_wait3A = arith.constant 0 : i32
    %dma_wait3A_12 = arith.constant 0 : i32
    %dma_wait3A_13 = tpu.memref_slice %arg2[%dma_wait3A, %dma_wait3A_12] : memref<32768x1024xf32, #tpu.memory_space<hbm>> -> memref<32768x1024xf32, #tpu.memory_space<hbm>>
    tpu.wait_indirect_dma semaphore(%arg9 : memref<!tpu.dma_semaphore, #tpu.memory_space<semaphore_mem>>) src(%dma_wait3A_13 : memref<32768x1024xf32, #tpu.memory_space<hbm>>) dst(%arg7 : memref<32x1024xf32, #tpu.memory_space<vmem>>)
    %add3A_14 = arith.constant 0 : i32
    %add3A_15 = arith.addi %mul3A_2, %add3A_14 : i32
    %dma_start3A_16 = arith.constant 0 : i32
    %dma_start3A_17 = tpu.memref_slice %arg4[%add3A_15, %dma_start3A_16] : memref<4096x1024xf32, #tpu.memory_space<hbm>> -> memref<32x1024xf32, #tpu.memory_space<hbm>>
    %dma_start3A_18 = arith.constant 0 : i32
    %dma_start3A_19 = tpu.memref_slice %arg4[%add3A_15, %dma_start3A_18] : memref<4096x1024xf32, #tpu.memory_space<hbm>> -> memref<32x1024xf32, #tpu.memory_space<hbm>>
    tpu.enqueue_dma source(%arg7 : memref<32x1024xf32, #tpu.memory_space<vmem>>) target(%dma_start3A_19 : memref<32x1024xf32, #tpu.memory_space<hbm>>) target_semaphore(%arg11 : memref<!tpu.dma_semaphore, #tpu.memory_space<semaphore_mem>>)
    %dma_wait3A_20 = arith.constant 0 : i32
    %dma_wait3A_21 = tpu.memref_slice %arg4[%add3A_15, %dma_wait3A_20] : memref<4096x1024xf32, #tpu.memory_space<hbm>> -> memref<32x1024xf32, #tpu.memory_space<hbm>>
    %dma_wait3A_22 = arith.constant 0 : i32
    %dma_wait3A_23 = tpu.memref_slice %arg4[%add3A_15, %dma_wait3A_22] : memref<4096x1024xf32, #tpu.memory_space<hbm>> -> memref<32x1024xf32, #tpu.memory_space<hbm>>
    tpu.wait_dma2 semaphore(%arg11 : memref<!tpu.dma_semaphore, #tpu.memory_space<semaphore_mem>>) src(%arg7 : memref<32x1024xf32, #tpu.memory_space<vmem>>) dst(%dma_wait3A_23 : memref<32x1024xf32, #tpu.memory_space<hbm>>)
    %add3A_24 = arith.constant 64 : i32
    %add3A_25 = arith.addi %mul3A_2, %add3A_24 : i32
    "tpu.region"() ({
      %run_scoped3A = tpu.sem_alloc : memref<!tpu.dma_semaphore, #tpu.memory_space<semaphore_mem>>
      %dma_start3A_73 = tpu.memref_slice %arg3[%add3A_25] : memref<4096xi32, #tpu.memory_space<hbm>> -> memref<32xi32, #tpu.memory_space<hbm>>
      %dma_start3A_74 = tpu.memref_slice %arg3[%add3A_25] : memref<4096xi32, #tpu.memory_space<hbm>> -> memref<32xi32, #tpu.memory_space<hbm>>
      tpu.enqueue_dma source(%dma_start3A_74 : memref<32xi32, #tpu.memory_space<hbm>>) target(%arg5 : memref<32xi32, #tpu.memory_space<vmem>>) target_semaphore(%run_scoped3A : memref<!tpu.dma_semaphore, #tpu.memory_space<semaphore_mem>>)
      %dma_wait3A_75 = tpu.memref_slice %arg3[%add3A_25] : memref<4096xi32, #tpu.memory_space<hbm>> -> memref<32xi32, #tpu.memory_space<hbm>>
      %dma_wait3A_76 = tpu.memref_slice %arg3[%add3A_25] : memref<4096xi32, #tpu.memory_space<hbm>> -> memref<32xi32, #tpu.memory_space<hbm>>
      tpu.wait_dma2 semaphore(%run_scoped3A : memref<!tpu.dma_semaphore, #tpu.memory_space<semaphore_mem>>) src(%dma_wait3A_76 : memref<32xi32, #tpu.memory_space<hbm>>) dst(%arg5 : memref<32xi32, #tpu.memory_space<vmem>>)
      tpu.yield
    }) : () -> ()
    %dma_start3A_26 = arith.constant 0 : i32
    %dma_start3A_27 = arith.constant 0 : i32
    %dma_start3A_28 = tpu.memref_slice %arg2[%dma_start3A_26, %dma_start3A_27] : memref<32768x1024xf32, #tpu.memory_space<hbm>> -> memref<32768x1024xf32, #tpu.memory_space<hbm>>
    tpu.enqueue_indirect_dma source(%dma_start3A_28 : memref<32768x1024xf32, #tpu.memory_space<hbm>>) target(%arg7 : memref<32x1024xf32, #tpu.memory_space<vmem>>) offsets(%arg5 : memref<32xi32, #tpu.memory_space<vmem>>) semaphore(%arg9 : memref<!tpu.dma_semaphore, #tpu.memory_space<semaphore_mem>>)
    %dma_wait3A_29 = arith.constant 0 : i32
    %dma_wait3A_30 = arith.constant 0 : i32
    %dma_wait3A_31 = tpu.memref_slice %arg2[%dma_wait3A_29, %dma_wait3A_30] : memref<32768x1024xf32, #tpu.memory_space<hbm>> -> memref<32768x1024xf32, #tpu.memory_space<hbm>>
    tpu.wait_indirect_dma semaphore(%arg10 : memref<!tpu.dma_semaphore, #tpu.memory_space<semaphore_mem>>) src(%dma_wait3A_31 : memref<32768x1024xf32, #tpu.memory_space<hbm>>) dst(%arg8 : memref<32x1024xf32, #tpu.memory_space<vmem>>)
    %add3A_32 = arith.constant 32 : i32
    %add3A_33 = arith.addi %mul3A_2, %add3A_32 : i32
    %dma_start3A_34 = arith.constant 0 : i32
    %dma_start3A_35 = tpu.memref_slice %arg4[%add3A_33, %dma_start3A_34] : memref<4096x1024xf32, #tpu.memory_space<hbm>> -> memref<32x1024xf32, #tpu.memory_space<hbm>>
    %dma_start3A_36 = arith.constant 0 : i32
    %dma_start3A_37 = tpu.memref_slice %arg4[%add3A_33, %dma_start3A_36] : memref<4096x1024xf32, #tpu.memory_space<hbm>> -> memref<32x1024xf32, #tpu.memory_space<hbm>>
    tpu.enqueue_dma source(%arg8 : memref<32x1024xf32, #tpu.memory_space<vmem>>) target(%dma_start3A_37 : memref<32x1024xf32, #tpu.memory_space<hbm>>) target_semaphore(%arg12 : memref<!tpu.dma_semaphore, #tpu.memory_space<semaphore_mem>>)
    %dma_wait3A_38 = arith.constant 0 : i32
    %dma_wait3A_39 = tpu.memref_slice %arg4[%add3A_33, %dma_wait3A_38] : memref<4096x1024xf32, #tpu.memory_space<hbm>> -> memref<32x1024xf32, #tpu.memory_space<hbm>>
    %dma_wait3A_40 = arith.constant 0 : i32
    %dma_wait3A_41 = tpu.memref_slice %arg4[%add3A_33, %dma_wait3A_40] : memref<4096x1024xf32, #tpu.memory_space<hbm>> -> memref<32x1024xf32, #tpu.memory_space<hbm>>
    tpu.wait_dma2 semaphore(%arg12 : memref<!tpu.dma_semaphore, #tpu.memory_space<semaphore_mem>>) src(%arg8 : memref<32x1024xf32, #tpu.memory_space<vmem>>) dst(%dma_wait3A_41 : memref<32x1024xf32, #tpu.memory_space<hbm>>)
    %add3A_42 = arith.constant 96 : i32
    %add3A_43 = arith.addi %mul3A_2, %add3A_42 : i32
    "tpu.region"() ({
      %run_scoped3A = tpu.sem_alloc : memref<!tpu.dma_semaphore, #tpu.memory_space<semaphore_mem>>
      %dma_start3A_73 = tpu.memref_slice %arg3[%add3A_43] : memref<4096xi32, #tpu.memory_space<hbm>> -> memref<32xi32, #tpu.memory_space<hbm>>
      %dma_start3A_74 = tpu.memref_slice %arg3[%add3A_43] : memref<4096xi32, #tpu.memory_space<hbm>> -> memref<32xi32, #tpu.memory_space<hbm>>
      tpu.enqueue_dma source(%dma_start3A_74 : memref<32xi32, #tpu.memory_space<hbm>>) target(%arg6 : memref<32xi32, #tpu.memory_space<vmem>>) target_semaphore(%run_scoped3A : memref<!tpu.dma_semaphore, #tpu.memory_space<semaphore_mem>>)
      %dma_wait3A_75 = tpu.memref_slice %arg3[%add3A_43] : memref<4096xi32, #tpu.memory_space<hbm>> -> memref<32xi32, #tpu.memory_space<hbm>>
      %dma_wait3A_76 = tpu.memref_slice %arg3[%add3A_43] : memref<4096xi32, #tpu.memory_space<hbm>> -> memref<32xi32, #tpu.memory_space<hbm>>
      tpu.wait_dma2 semaphore(%run_scoped3A : memref<!tpu.dma_semaphore, #tpu.memory_space<semaphore_mem>>) src(%dma_wait3A_76 : memref<32xi32, #tpu.memory_space<hbm>>) dst(%arg6 : memref<32xi32, #tpu.memory_space<vmem>>)
      tpu.yield
    }) : () -> ()
    %dma_start3A_44 = arith.constant 0 : i32
    %dma_start3A_45 = arith.constant 0 : i32
    %dma_start3A_46 = tpu.memref_slice %arg2[%dma_start3A_44, %dma_start3A_45] : memref<32768x1024xf32, #tpu.memory_space<hbm>> -> memref<32768x1024xf32, #tpu.memory_space<hbm>>
    tpu.enqueue_indirect_dma source(%dma_start3A_46 : memref<32768x1024xf32, #tpu.memory_space<hbm>>) target(%arg8 : memref<32x1024xf32, #tpu.memory_space<vmem>>) offsets(%arg6 : memref<32xi32, #tpu.memory_space<vmem>>) semaphore(%arg10 : memref<!tpu.dma_semaphore, #tpu.memory_space<semaphore_mem>>)
    %dma_wait3A_47 = arith.constant 0 : i32
    %dma_wait3A_48 = arith.constant 0 : i32
    %dma_wait3A_49 = tpu.memref_slice %arg2[%dma_wait3A_47, %dma_wait3A_48] : memref<32768x1024xf32, #tpu.memory_space<hbm>> -> memref<32768x1024xf32, #tpu.memory_space<hbm>>
    tpu.wait_indirect_dma semaphore(%arg9 : memref<!tpu.dma_semaphore, #tpu.memory_space<semaphore_mem>>) src(%dma_wait3A_49 : memref<32768x1024xf32, #tpu.memory_space<hbm>>) dst(%arg7 : memref<32x1024xf32, #tpu.memory_space<vmem>>)
    %add3A_50 = arith.constant 64 : i32
    %add3A_51 = arith.addi %mul3A_2, %add3A_50 : i32
    %dma_start3A_52 = arith.constant 0 : i32
    %dma_start3A_53 = tpu.memref_slice %arg4[%add3A_51, %dma_start3A_52] : memref<4096x1024xf32, #tpu.memory_space<hbm>> -> memref<32x1024xf32, #tpu.memory_space<hbm>>
    %dma_start3A_54 = arith.constant 0 : i32
    %dma_start3A_55 = tpu.memref_slice %arg4[%add3A_51, %dma_start3A_54] : memref<4096x1024xf32, #tpu.memory_space<hbm>> -> memref<32x1024xf32, #tpu.memory_space<hbm>>
    tpu.enqueue_dma source(%arg7 : memref<32x1024xf32, #tpu.memory_space<vmem>>) target(%dma_start3A_55 : memref<32x1024xf32, #tpu.memory_space<hbm>>) target_semaphore(%arg11 : memref<!tpu.dma_semaphore, #tpu.memory_space<semaphore_mem>>)
    %dma_wait3A_56 = arith.constant 0 : i32
    %dma_wait3A_57 = arith.constant 0 : i32
    %dma_wait3A_58 = tpu.memref_slice %arg2[%dma_wait3A_56, %dma_wait3A_57] : memref<32768x1024xf32, #tpu.memory_space<hbm>> -> memref<32768x1024xf32, #tpu.memory_space<hbm>>
    tpu.wait_indirect_dma semaphore(%arg10 : memref<!tpu.dma_semaphore, #tpu.memory_space<semaphore_mem>>) src(%dma_wait3A_58 : memref<32768x1024xf32, #tpu.memory_space<hbm>>) dst(%arg8 : memref<32x1024xf32, #tpu.memory_space<vmem>>)
    %add3A_59 = arith.constant 96 : i32
    %add3A_60 = arith.addi %mul3A_2, %add3A_59 : i32
    %dma_start3A_61 = arith.constant 0 : i32
    %dma_start3A_62 = tpu.memref_slice %arg4[%add3A_60, %dma_start3A_61] : memref<4096x1024xf32, #tpu.memory_space<hbm>> -> memref<32x1024xf32, #tpu.memory_space<hbm>>
    %dma_start3A_63 = arith.constant 0 : i32
    %dma_start3A_64 = tpu.memref_slice %arg4[%add3A_60, %dma_start3A_63] : memref<4096x1024xf32, #tpu.memory_space<hbm>> -> memref<32x1024xf32, #tpu.memory_space<hbm>>
    tpu.enqueue_dma source(%arg8 : memref<32x1024xf32, #tpu.memory_space<vmem>>) target(%dma_start3A_64 : memref<32x1024xf32, #tpu.memory_space<hbm>>) target_semaphore(%arg12 : memref<!tpu.dma_semaphore, #tpu.memory_space<semaphore_mem>>)
    %dma_wait3A_65 = arith.constant 0 : i32
    %dma_wait3A_66 = tpu.memref_slice %arg4[%add3A_60, %dma_wait3A_65] : memref<4096x1024xf32, #tpu.memory_space<hbm>> -> memref<32x1024xf32, #tpu.memory_space<hbm>>
    %dma_wait3A_67 = arith.constant 0 : i32
    %dma_wait3A_68 = tpu.memref_slice %arg4[%add3A_60, %dma_wait3A_67] : memref<4096x1024xf32, #tpu.memory_space<hbm>> -> memref<32x1024xf32, #tpu.memory_space<hbm>>
    tpu.wait_dma2 semaphore(%arg12 : memref<!tpu.dma_semaphore, #tpu.memory_space<semaphore_mem>>) src(%arg8 : memref<32x1024xf32, #tpu.memory_space<vmem>>) dst(%dma_wait3A_68 : memref<32x1024xf32, #tpu.memory_space<hbm>>)
    %dma_wait3A_69 = arith.constant 0 : i32
    %dma_wait3A_70 = tpu.memref_slice %arg4[%add3A_51, %dma_wait3A_69] : memref<4096x1024xf32, #tpu.memory_space<hbm>> -> memref<32x1024xf32, #tpu.memory_space<hbm>>
    %dma_wait3A_71 = arith.constant 0 : i32
    %dma_wait3A_72 = tpu.memref_slice %arg4[%add3A_51, %dma_wait3A_71] : memref<4096x1024xf32, #tpu.memory_space<hbm>> -> memref<32x1024xf32, #tpu.memory_space<hbm>>
    tpu.wait_dma2 semaphore(%arg11 : memref<!tpu.dma_semaphore, #tpu.memory_space<semaphore_mem>>) src(%arg7 : memref<32x1024xf32, #tpu.memory_space<vmem>>) dst(%dma_wait3A_72 : memref<32x1024xf32, #tpu.memory_space<hbm>>)
    return
  }
}

#map = affine_map<(d0, d1) -> (0, 0)>
#map1 = affine_map<(d0, d1) -> (0)>
module attributes {stable_mosaic.version = 14 : i64} {
  func.func @k(%arg0: i32, %arg1: i32, %arg2: memref<32768x1024xf32, #tpu.memory_space<hbm>>, %arg3: memref<4096xi32, #tpu.memory_space<hbm>>, %arg4: memref<4096x1024xf32, #tpu.memory_space<hbm>>, %arg5: memref<32xi32, #tpu.memory_space<vmem>>, %arg6: memref<32xi32, #tpu.memory_space<vmem>>, %arg7: memref<32x1024xf32, #tpu.memory_space<vmem>>, %arg8: memref<32x1024xf32, #tpu.memory_space<vmem>>, %arg9: memref<!tpu.dma_semaphore, #tpu.memory_space<semaphore_mem>>, %arg10: memref<!tpu.dma_semaphore, #tpu.memory_space<semaphore_mem>>, %arg11: memref<!tpu.dma_semaphore, #tpu.memory_space<semaphore_mem>>, %arg12: memref<!tpu.dma_semaphore, #tpu.memory_space<semaphore_mem>>) attributes {dimension_semantics = [#tpu.dimension_semantics<core_parallel>, #tpu.dimension_semantics<subcore_parallel>], iteration_bounds = array<i64: 2, 16>, scalar_prefetch = 0 : i64, scratch_operands = 8 : i64, tpu.core_type = #tpu.core_type<sc_vector_subcore>, window_params = [{transform_indices = #map}, {transform_indices = #map1}, {transform_indices = #map}]} {
    %mul3A = arith.constant 2 : i32
    %mul3A_0 = arith.muli %arg1, %mul3A : i32
    %add3A = arith.addi %mul3A_0, %arg0 : i32
    %mul3A_1 = arith.constant 128 : i32
    %mul3A_2 = arith.muli %add3A, %mul3A_1 : i32
    %add3A_3 = arith.constant 0 : i32
    %add3A_4 = arith.addi %mul3A_2, %add3A_3 : i32
    "tpu.region"() ({
      %run_scoped3A = tpu.sem_alloc : memref<!tpu.dma_semaphore, #tpu.memory_space<semaphore_mem>>
      %dma_start3A_73 = tpu.memref_slice %arg3[%add3A_4] : memref<4096xi32, #tpu.memory_space<hbm>> -> memref<32xi32, #tpu.memory_space<hbm>>
      %dma_start3A_74 = tpu.memref_slice %arg3[%add3A_4] : memref<4096xi32, #tpu.memory_space<hbm>> -> memref<32xi32, #tpu.memory_space<hbm>>
      tpu.enqueue_dma source(%dma_start3A_74 : memref<32xi32, #tpu.memory_space<hbm>>) target(%arg5 : memref<32xi32, #tpu.memory_space<vmem>>) target_semaphore(%run_scoped3A : memref<!tpu.dma_semaphore, #tpu.memory_space<semaphore_mem>>)
      %dma_wait3A_75 = tpu.memref_slice %arg3[%add3A_4] : memref<4096xi32, #tpu.memory_space<hbm>> -> memref<32xi32, #tpu.memory_space<hbm>>
      %dma_wait3A_76 = tpu.memref_slice %arg3[%add3A_4] : memref<4096xi32, #tpu.memory_space<hbm>> -> memref<32xi32, #tpu.memory_space<hbm>>
      tpu.wait_dma2 semaphore(%run_scoped3A : memref<!tpu.dma_semaphore, #tpu.memory_space<semaphore_mem>>) src(%dma_wait3A_76 : memref<32xi32, #tpu.memory_space<hbm>>) dst(%arg5 : memref<32xi32, #tpu.memory_space<vmem>>)
      tpu.yield
    }) : () -> ()
    %dma_start3A = arith.constant 0 : i32
    %dma_start3A_5 = arith.constant 0 : i32
    %dma_start3A_6 = tpu.memref_slice %arg2[%dma_start3A, %dma_start3A_5] : memref<32768x1024xf32, #tpu.memory_space<hbm>> -> memref<32768x1024xf32, #tpu.memory_space<hbm>>
    tpu.enqueue_indirect_dma source(%dma_start3A_6 : memref<32768x1024xf32, #tpu.memory_space<hbm>>) target(%arg7 : memref<32x1024xf32, #tpu.memory_space<vmem>>) offsets(%arg5 : memref<32xi32, #tpu.memory_space<vmem>>) semaphore(%arg9 : memref<!tpu.dma_semaphore, #tpu.memory_space<semaphore_mem>>)
    %add3A_7 = arith.constant 32 : i32
    %add3A_8 = arith.addi %mul3A_2, %add3A_7 : i32
    "tpu.region"() ({
      %run_scoped3A = tpu.sem_alloc : memref<!tpu.dma_semaphore, #tpu.memory_space<semaphore_mem>>
      %dma_start3A_73 = tpu.memref_slice %arg3[%add3A_8] : memref<4096xi32, #tpu.memory_space<hbm>> -> memref<32xi32, #tpu.memory_space<hbm>>
      %dma_start3A_74 = tpu.memref_slice %arg3[%add3A_8] : memref<4096xi32, #tpu.memory_space<hbm>> -> memref<32xi32, #tpu.memory_space<hbm>>
      tpu.enqueue_dma source(%dma_start3A_74 : memref<32xi32, #tpu.memory_space<hbm>>) target(%arg6 : memref<32xi32, #tpu.memory_space<vmem>>) target_semaphore(%run_scoped3A : memref<!tpu.dma_semaphore, #tpu.memory_space<semaphore_mem>>)
      %dma_wait3A_75 = tpu.memref_slice %arg3[%add3A_8] : memref<4096xi32, #tpu.memory_space<hbm>> -> memref<32xi32, #tpu.memory_space<hbm>>
      %dma_wait3A_76 = tpu.memref_slice %arg3[%add3A_8] : memref<4096xi32, #tpu.memory_space<hbm>> -> memref<32xi32, #tpu.memory_space<hbm>>
      tpu.wait_dma2 semaphore(%run_scoped3A : memref<!tpu.dma_semaphore, #tpu.memory_space<semaphore_mem>>) src(%dma_wait3A_76 : memref<32xi32, #tpu.memory_space<hbm>>) dst(%arg6 : memref<32xi32, #tpu.memory_space<vmem>>)
      tpu.yield
    }) : () -> ()
    %dma_start3A_9 = arith.constant 0 : i32
    %dma_start3A_10 = arith.constant 0 : i32
    %dma_start3A_11 = tpu.memref_slice %arg2[%dma_start3A_9, %dma_start3A_10] : memref<32768x1024xf32, #tpu.memory_space<hbm>> -> memref<32768x1024xf32, #tpu.memory_space<hbm>>
    tpu.enqueue_indirect_dma source(%dma_start3A_11 : memref<32768x1024xf32, #tpu.memory_space<hbm>>) target(%arg8 : memref<32x1024xf32, #tpu.memory_space<vmem>>) offsets(%arg6 : memref<32xi32, #tpu.memory_space<vmem>>) semaphore(%arg10 : memref<!tpu.dma_semaphore, #tpu.memory_space<semaphore_mem>>)
    %dma_wait3A = arith.constant 0 : i32
    %dma_wait3A_12 = arith.constant 0 : i32
    %dma_wait3A_13 = tpu.memref_slice %arg2[%dma_wait3A, %dma_wait3A_12] : memref<32768x1024xf32, #tpu.memory_space<hbm>> -> memref<32768x1024xf32, #tpu.memory_space<hbm>>
    tpu.wait_indirect_dma semaphore(%arg9 : memref<!tpu.dma_semaphore, #tpu.memory_space<semaphore_mem>>) src(%dma_wait3A_13 : memref<32768x1024xf32, #tpu.memory_space<hbm>>) dst(%arg7 : memref<32x1024xf32, #tpu.memory_space<vmem>>)
    %add3A_14 = arith.constant 0 : i32
    %add3A_15 = arith.addi %mul3A_2, %add3A_14 : i32
    %dma_start3A_16 = arith.constant 0 : i32
    %dma_start3A_17 = tpu.memref_slice %arg4[%add3A_15, %dma_start3A_16] : memref<4096x1024xf32, #tpu.memory_space<hbm>> -> memref<32x1024xf32, #tpu.memory_space<hbm>>
    %dma_start3A_18 = arith.constant 0 : i32
    %dma_start3A_19 = tpu.memref_slice %arg4[%add3A_15, %dma_start3A_18] : memref<4096x1024xf32, #tpu.memory_space<hbm>> -> memref<32x1024xf32, #tpu.memory_space<hbm>>
    tpu.enqueue_dma source(%arg7 : memref<32x1024xf32, #tpu.memory_space<vmem>>) target(%dma_start3A_19 : memref<32x1024xf32, #tpu.memory_space<hbm>>) target_semaphore(%arg11 : memref<!tpu.dma_semaphore, #tpu.memory_space<semaphore_mem>>)
    %dma_wait3A_20 = arith.constant 0 : i32
    %dma_wait3A_21 = tpu.memref_slice %arg4[%add3A_15, %dma_wait3A_20] : memref<4096x1024xf32, #tpu.memory_space<hbm>> -> memref<32x1024xf32, #tpu.memory_space<hbm>>
    %dma_wait3A_22 = arith.constant 0 : i32
    %dma_wait3A_23 = tpu.memref_slice %arg4[%add3A_15, %dma_wait3A_22] : memref<4096x1024xf32, #tpu.memory_space<hbm>> -> memref<32x1024xf32, #tpu.memory_space<hbm>>
    tpu.wait_dma2 semaphore(%arg11 : memref<!tpu.dma_semaphore, #tpu.memory_space<semaphore_mem>>) src(%arg7 : memref<32x1024xf32, #tpu.memory_space<vmem>>) dst(%dma_wait3A_23 : memref<32x1024xf32, #tpu.memory_space<hbm>>)
    %add3A_24 = arith.constant 64 : i32
    %add3A_25 = arith.addi %mul3A_2, %add3A_24 : i32
    "tpu.region"() ({
      %run_scoped3A = tpu.sem_alloc : memref<!tpu.dma_semaphore, #tpu.memory_space<semaphore_mem>>
      %dma_start3A_73 = tpu.memref_slice %arg3[%add3A_25] : memref<4096xi32, #tpu.memory_space<hbm>> -> memref<32xi32, #tpu.memory_space<hbm>>
      %dma_start3A_74 = tpu.memref_slice %arg3[%add3A_25] : memref<4096xi32, #tpu.memory_space<hbm>> -> memref<32xi32, #tpu.memory_space<hbm>>
      tpu.enqueue_dma source(%dma_start3A_74 : memref<32xi32, #tpu.memory_space<hbm>>) target(%arg5 : memref<32xi32, #tpu.memory_space<vmem>>) target_semaphore(%run_scoped3A : memref<!tpu.dma_semaphore, #tpu.memory_space<semaphore_mem>>)
      %dma_wait3A_75 = tpu.memref_slice %arg3[%add3A_25] : memref<4096xi32, #tpu.memory_space<hbm>> -> memref<32xi32, #tpu.memory_space<hbm>>
      %dma_wait3A_76 = tpu.memref_slice %arg3[%add3A_25] : memref<4096xi32, #tpu.memory_space<hbm>> -> memref<32xi32, #tpu.memory_space<hbm>>
      tpu.wait_dma2 semaphore(%run_scoped3A : memref<!tpu.dma_semaphore, #tpu.memory_space<semaphore_mem>>) src(%dma_wait3A_76 : memref<32xi32, #tpu.memory_space<hbm>>) dst(%arg5 : memref<32xi32, #tpu.memory_space<vmem>>)
      tpu.yield
    }) : () -> ()
    %dma_start3A_26 = arith.constant 0 : i32
    %dma_start3A_27 = arith.constant 0 : i32
    %dma_start3A_28 = tpu.memref_slice %arg2[%dma_start3A_26, %dma_start3A_27] : memref<32768x1024xf32, #tpu.memory_space<hbm>> -> memref<32768x1024xf32, #tpu.memory_space<hbm>>
    tpu.enqueue_indirect_dma source(%dma_start3A_28 : memref<32768x1024xf32, #tpu.memory_space<hbm>>) target(%arg7 : memref<32x1024xf32, #tpu.memory_space<vmem>>) offsets(%arg5 : memref<32xi32, #tpu.memory_space<vmem>>) semaphore(%arg9 : memref<!tpu.dma_semaphore, #tpu.memory_space<semaphore_mem>>)
    %dma_wait3A_29 = arith.constant 0 : i32
    %dma_wait3A_30 = arith.constant 0 : i32
    %dma_wait3A_31 = tpu.memref_slice %arg2[%dma_wait3A_29, %dma_wait3A_30] : memref<32768x1024xf32, #tpu.memory_space<hbm>> -> memref<32768x1024xf32, #tpu.memory_space<hbm>>
    tpu.wait_indirect_dma semaphore(%arg10 : memref<!tpu.dma_semaphore, #tpu.memory_space<semaphore_mem>>) src(%dma_wait3A_31 : memref<32768x1024xf32, #tpu.memory_space<hbm>>) dst(%arg8 : memref<32x1024xf32, #tpu.memory_space<vmem>>)
    %add3A_32 = arith.constant 32 : i32
    %add3A_33 = arith.addi %mul3A_2, %add3A_32 : i32
    %dma_start3A_34 = arith.constant 0 : i32
    %dma_start3A_35 = tpu.memref_slice %arg4[%add3A_33, %dma_start3A_34] : memref<4096x1024xf32, #tpu.memory_space<hbm>> -> memref<32x1024xf32, #tpu.memory_space<hbm>>
    %dma_start3A_36 = arith.constant 0 : i32
    %dma_start3A_37 = tpu.memref_slice %arg4[%add3A_33, %dma_start3A_36] : memref<4096x1024xf32, #tpu.memory_space<hbm>> -> memref<32x1024xf32, #tpu.memory_space<hbm>>
    tpu.enqueue_dma source(%arg8 : memref<32x1024xf32, #tpu.memory_space<vmem>>) target(%dma_start3A_37 : memref<32x1024xf32, #tpu.memory_space<hbm>>) target_semaphore(%arg12 : memref<!tpu.dma_semaphore, #tpu.memory_space<semaphore_mem>>)
    %dma_wait3A_38 = arith.constant 0 : i32
    %dma_wait3A_39 = tpu.memref_slice %arg4[%add3A_33, %dma_wait3A_38] : memref<4096x1024xf32, #tpu.memory_space<hbm>> -> memref<32x1024xf32, #tpu.memory_space<hbm>>
    %dma_wait3A_40 = arith.constant 0 : i32
    %dma_wait3A_41 = tpu.memref_slice %arg4[%add3A_33, %dma_wait3A_40] : memref<4096x1024xf32, #tpu.memory_space<hbm>> -> memref<32x1024xf32, #tpu.memory_space<hbm>>
    tpu.wait_dma2 semaphore(%arg12 : memref<!tpu.dma_semaphore, #tpu.memory_space<semaphore_mem>>) src(%arg8 : memref<32x1024xf32, #tpu.memory_space<vmem>>) dst(%dma_wait3A_41 : memref<32x1024xf32, #tpu.memory_space<hbm>>)
    %add3A_42 = arith.constant 96 : i32
    %add3A_43 = arith.addi %mul3A_2, %add3A_42 : i32
    "tpu.region"() ({
      %run_scoped3A = tpu.sem_alloc : memref<!tpu.dma_semaphore, #tpu.memory_space<semaphore_mem>>
      %dma_start3A_73 = tpu.memref_slice %arg3[%add3A_43] : memref<4096xi32, #tpu.memory_space<hbm>> -> memref<32xi32, #tpu.memory_space<hbm>>
      %dma_start3A_74 = tpu.memref_slice %arg3[%add3A_43] : memref<4096xi32, #tpu.memory_space<hbm>> -> memref<32xi32, #tpu.memory_space<hbm>>
      tpu.enqueue_dma source(%dma_start3A_74 : memref<32xi32, #tpu.memory_space<hbm>>) target(%arg6 : memref<32xi32, #tpu.memory_space<vmem>>) target_semaphore(%run_scoped3A : memref<!tpu.dma_semaphore, #tpu.memory_space<semaphore_mem>>)
      %dma_wait3A_75 = tpu.memref_slice %arg3[%add3A_43] : memref<4096xi32, #tpu.memory_space<hbm>> -> memref<32xi32, #tpu.memory_space<hbm>>
      %dma_wait3A_76 = tpu.memref_slice %arg3[%add3A_43] : memref<4096xi32, #tpu.memory_space<hbm>> -> memref<32xi32, #tpu.memory_space<hbm>>
      tpu.wait_dma2 semaphore(%run_scoped3A : memref<!tpu.dma_semaphore, #tpu.memory_space<semaphore_mem>>) src(%dma_wait3A_76 : memref<32xi32, #tpu.memory_space<hbm>>) dst(%arg6 : memref<32xi32, #tpu.memory_space<vmem>>)
      tpu.yield
    }) : () -> ()
    %dma_start3A_44 = arith.constant 0 : i32
    %dma_start3A_45 = arith.constant 0 : i32
    %dma_start3A_46 = tpu.memref_slice %arg2[%dma_start3A_44, %dma_start3A_45] : memref<32768x1024xf32, #tpu.memory_space<hbm>> -> memref<32768x1024xf32, #tpu.memory_space<hbm>>
    tpu.enqueue_indirect_dma source(%dma_start3A_46 : memref<32768x1024xf32, #tpu.memory_space<hbm>>) target(%arg8 : memref<32x1024xf32, #tpu.memory_space<vmem>>) offsets(%arg6 : memref<32xi32, #tpu.memory_space<vmem>>) semaphore(%arg10 : memref<!tpu.dma_semaphore, #tpu.memory_space<semaphore_mem>>)
    %dma_wait3A_47 = arith.constant 0 : i32
    %dma_wait3A_48 = arith.constant 0 : i32
    %dma_wait3A_49 = tpu.memref_slice %arg2[%dma_wait3A_47, %dma_wait3A_48] : memref<32768x1024xf32, #tpu.memory_space<hbm>> -> memref<32768x1024xf32, #tpu.memory_space<hbm>>
    tpu.wait_indirect_dma semaphore(%arg9 : memref<!tpu.dma_semaphore, #tpu.memory_space<semaphore_mem>>) src(%dma_wait3A_49 : memref<32768x1024xf32, #tpu.memory_space<hbm>>) dst(%arg7 : memref<32x1024xf32, #tpu.memory_space<vmem>>)
    %add3A_50 = arith.constant 64 : i32
    %add3A_51 = arith.addi %mul3A_2, %add3A_50 : i32
    %dma_start3A_52 = arith.constant 0 : i32
    %dma_start3A_53 = tpu.memref_slice %arg4[%add3A_51, %dma_start3A_52] : memref<4096x1024xf32, #tpu.memory_space<hbm>> -> memref<32x1024xf32, #tpu.memory_space<hbm>>
    %dma_start3A_54 = arith.constant 0 : i32
    %dma_start3A_55 = tpu.memref_slice %arg4[%add3A_51, %dma_start3A_54] : memref<4096x1024xf32, #tpu.memory_space<hbm>> -> memref<32x1024xf32, #tpu.memory_space<hbm>>
    tpu.enqueue_dma source(%arg7 : memref<32x1024xf32, #tpu.memory_space<vmem>>) target(%dma_start3A_55 : memref<32x1024xf32, #tpu.memory_space<hbm>>) target_semaphore(%arg11 : memref<!tpu.dma_semaphore, #tpu.memory_space<semaphore_mem>>)
    %dma_wait3A_56 = arith.constant 0 : i32
    %dma_wait3A_57 = arith.constant 0 : i32
    %dma_wait3A_58 = tpu.memref_slice %arg2[%dma_wait3A_56, %dma_wait3A_57] : memref<32768x1024xf32, #tpu.memory_space<hbm>> -> memref<32768x1024xf32, #tpu.memory_space<hbm>>
    tpu.wait_indirect_dma semaphore(%arg10 : memref<!tpu.dma_semaphore, #tpu.memory_space<semaphore_mem>>) src(%dma_wait3A_58 : memref<32768x1024xf32, #tpu.memory_space<hbm>>) dst(%arg8 : memref<32x1024xf32, #tpu.memory_space<vmem>>)
    %add3A_59 = arith.constant 96 : i32
    %add3A_60 = arith.addi %mul3A_2, %add3A_59 : i32
    %dma_start3A_61 = arith.constant 0 : i32
    %dma_start3A_62 = tpu.memref_slice %arg4[%add3A_60, %dma_start3A_61] : memref<4096x1024xf32, #tpu.memory_space<hbm>> -> memref<32x1024xf32, #tpu.memory_space<hbm>>
    %dma_start3A_63 = arith.constant 0 : i32
    %dma_start3A_64 = tpu.memref_slice %arg4[%add3A_60, %dma_start3A_63] : memref<4096x1024xf32, #tpu.memory_space<hbm>> -> memref<32x1024xf32, #tpu.memory_space<hbm>>
    tpu.enqueue_dma source(%arg8 : memref<32x1024xf32, #tpu.memory_space<vmem>>) target(%dma_start3A_64 : memref<32x1024xf32, #tpu.memory_space<hbm>>) target_semaphore(%arg12 : memref<!tpu.dma_semaphore, #tpu.memory_space<semaphore_mem>>)
    %dma_wait3A_65 = arith.constant 0 : i32
    %dma_wait3A_66 = tpu.memref_slice %arg4[%add3A_60, %dma_wait3A_65] : memref<4096x1024xf32, #tpu.memory_space<hbm>> -> memref<32x1024xf32, #tpu.memory_space<hbm>>
    %dma_wait3A_67 = arith.constant 0 : i32
    %dma_wait3A_68 = tpu.memref_slice %arg4[%add3A_60, %dma_wait3A_67] : memref<4096x1024xf32, #tpu.memory_space<hbm>> -> memref<32x1024xf32, #tpu.memory_space<hbm>>
    tpu.wait_dma2 semaphore(%arg12 : memref<!tpu.dma_semaphore, #tpu.memory_space<semaphore_mem>>) src(%arg8 : memref<32x1024xf32, #tpu.memory_space<vmem>>) dst(%dma_wait3A_68 : memref<32x1024xf32, #tpu.memory_space<hbm>>)
    %dma_wait3A_69 = arith.constant 0 : i32
    %dma_wait3A_70 = tpu.memref_slice %arg4[%add3A_51, %dma_wait3A_69] : memref<4096x1024xf32, #tpu.memory_space<hbm>> -> memref<32x1024xf32, #tpu.memory_space<hbm>>
    %dma_wait3A_71 = arith.constant 0 : i32
    %dma_wait3A_72 = tpu.memref_slice %arg4[%add3A_51, %dma_wait3A_71] : memref<4096x1024xf32, #tpu.memory_space<hbm>> -> memref<32x1024xf32, #tpu.memory_space<hbm>>
    tpu.wait_dma2 semaphore(%arg11 : memref<!tpu.dma_semaphore, #tpu.memory_space<semaphore_mem>>) src(%arg7 : memref<32x1024xf32, #tpu.memory_space<vmem>>) dst(%dma_wait3A_72 : memref<32x1024xf32, #tpu.memory_space<hbm>>)
    return
  }
}

module attributes {stable_mosaic.version = 14 : i64} {
  func.func @_topk_kernel(%arg0: i32, %arg1: memref<8x1x512xf32, #tpu.memory_space<vmem>>, %arg2: memref<8x128xi32, #tpu.memory_space<vmem>>, %arg3: memref<8x128xf32, #tpu.memory_space<vmem>>) attributes {dimension_semantics = [#tpu.dimension_semantics<arbitrary>], iteration_bounds = array<i64: 4>, scalar_prefetch = 0 : i64, scratch_operands = 0 : i64, tpu.core_type = #tpu.core_type<tc>, window_params = [{transform_indices = @transform_0, window_bounds = array<i64: 8, 1, 512>}, {transform_indices = @transform_1, window_bounds = array<i64: 8, 128>}, {transform_indices = @transform_2, window_bounds = array<i64: 8, 128>}]} {
    %get3A = arith.constant 0 : index
    %get3A_0 = arith.constant 0 : index
    %get3A_1 = arith.constant 0 : index
    %get3A_2 = vector.load %arg1[%get3A, %get3A_0, %get3A_1] : memref<8x1x512xf32, #tpu.memory_space<vmem>>, vector<8x1x512xf32>
    %max3A = arith.constant 0.000000e+00 : f32
    %max3A_3 = vector.broadcast %max3A : f32 to vector<8x1x512xf32>
    %max3A_4 = arith.maximumf %get3A_2, %max3A_3 : vector<8x1x512xf32>
    %reduce_sum3A = arith.constant dense<0.000000e+00> : vector<8x1xf32>
    %reduce_sum3A_5 = vector.multi_reduction <add>, %max3A_4, %reduce_sum3A [2] : vector<8x1x512xf32> to vector<8x1xf32>
    %broadcast_in_dim3A = vector.shape_cast %reduce_sum3A_5 : vector<8x1xf32> to vector<8x1x1xf32>
    %max3A_6 = arith.constant 9.99999997E-7 : f32
    %max3A_7 = vector.broadcast %max3A_6 : f32 to vector<8x1x1xf32>
    %max3A_8 = arith.maximumf %broadcast_in_dim3A, %max3A_7 : vector<8x1x1xf32>
    %div3A = vector.broadcast %max3A_8 : vector<8x1x1xf32> to vector<8x1x512xf32>
    %div3A_9 = arith.divf %max3A_4, %div3A : vector<8x1x512xf32>
    %transpose3A = tpu.transpose %div3A_9, [0, 2, 1] : vector<8x1x512xf32> -> vector<8x512x1xf32>
    %broadcast_in_dim3A_10 = vector.shape_cast %transpose3A : vector<8x512x1xf32> to vector<8x512x1xf32>
    %broadcast_in_dim3A_11 = vector.broadcast %broadcast_in_dim3A_10 : vector<8x512x1xf32> to vector<8x512x512xf32>
    %broadcast_in_dim3A_12 = vector.shape_cast %div3A_9 : vector<8x1x512xf32> to vector<8x1x512xf32>
    %broadcast_in_dim3A_13 = vector.broadcast %broadcast_in_dim3A_12 : vector<8x1x512xf32> to vector<8x512x512xf32>
    %iota3A = tpu.iota {dimensions = array<i32: 1>} : vector<1x512x512xi32>
    %iota3A_14 = tpu.iota {dimensions = array<i32: 2>} : vector<1x512x512xi32>
    %lt3A = arith.cmpi slt, %iota3A, %iota3A_14 : vector<1x512x512xi32>
    %gt3A = arith.cmpf ogt, %broadcast_in_dim3A_11, %broadcast_in_dim3A_13 : vector<8x512x512xf32>
    %eq3A = arith.cmpf oeq, %broadcast_in_dim3A_11, %broadcast_in_dim3A_13 : vector<8x512x512xf32>
    %and3A = vector.broadcast %lt3A : vector<1x512x512xi1> to vector<8x512x512xi1>
    %and3A_15 = arith.andi %eq3A, %and3A : vector<8x512x512xi1>
    %or3A = arith.ori %gt3A, %and3A_15 : vector<8x512x512xi1>
    %convert_element_type3A = arith.extui %or3A : vector<8x512x512xi1> to vector<8x512x512xi32>
    %reduce_sum3A_16 = arith.constant dense<0> : vector<8x512xi32>
    %reduce_sum3A_17 = vector.multi_reduction <add>, %convert_element_type3A, %reduce_sum3A_16 [1] : vector<8x512x512xi32> to vector<8x512xi32>
    %broadcast_in_dim3A_18 = vector.shape_cast %reduce_sum3A_17 : vector<8x512xi32> to vector<8x1x512xi32>
    %iota3A_19 = tpu.iota {dimensions = array<i32: 1>} : vector<8x128x512xi32>
    %broadcast_in_dim3A_20 = vector.shape_cast %broadcast_in_dim3A_18 : vector<8x1x512xi32> to vector<8x1x512xi32>
    %broadcast_in_dim3A_21 = vector.broadcast %broadcast_in_dim3A_20 : vector<8x1x512xi32> to vector<8x128x512xi32>
    %eq3A_22 = arith.cmpi eq, %broadcast_in_dim3A_21, %iota3A_19 : vector<8x128x512xi32>
    %broadcast_in_dim3A_23 = vector.shape_cast %div3A_9 : vector<8x1x512xf32> to vector<8x1x512xf32>
    %broadcast_in_dim3A_24 = vector.broadcast %broadcast_in_dim3A_23 : vector<8x1x512xf32> to vector<8x128x512xf32>
    %jit3A = arith.constant 0.000000e+00 : f32
    %broadcast_in_dim3A_25 = vector.broadcast %jit3A : f32 to vector<8x128x512xf32>
    %select_n3A = arith.select %eq3A_22, %broadcast_in_dim3A_24, %broadcast_in_dim3A_25 : vector<8x128x512xi1>, vector<8x128x512xf32>
    %reduce_sum3A_26 = arith.constant dense<0.000000e+00> : vector<8x128xf32>
    %reduce_sum3A_27 = vector.multi_reduction <add>, %select_n3A, %reduce_sum3A_26 [2] : vector<8x128x512xf32> to vector<8x128xf32>
    %swap3A = arith.constant 0 : index
    %swap3A_28 = arith.constant 0 : index
    %swap3A_29 = vector.load %arg3[%swap3A, %swap3A_28] : memref<8x128xf32, #tpu.memory_space<vmem>>, vector<8x128xf32>
    tpu.vector_store %arg3[%swap3A, %swap3A_28], %reduce_sum3A_27 {strides = array<i32>} : memref<8x128xf32, #tpu.memory_space<vmem>>, vector<8x128xf32>,
    %iota3A_30 = tpu.iota {dimensions = array<i32: 2>} : vector<8x128x512xi32>
    %jit3A_31 = arith.constant 0 : i32
    %broadcast_in_dim3A_32 = vector.broadcast %jit3A_31 : i32 to vector<8x128x512xi32>
    %select_n3A_33 = arith.select %eq3A_22, %iota3A_30, %broadcast_in_dim3A_32 : vector<8x128x512xi1>, vector<8x128x512xi32>
    %reduce_sum3A_34 = arith.constant dense<0> : vector<8x128xi32>
    %reduce_sum3A_35 = vector.multi_reduction <add>, %select_n3A_33, %reduce_sum3A_34 [2] : vector<8x128x512xi32> to vector<8x128xi32>
    %mul3A = arith.constant 8 : i32
    %mul3A_36 = arith.muli %arg0, %mul3A : i32
    %iota3A_37 = tpu.iota {dimensions = array<i32: 0>} : vector<8x128xi32>
    %add3A = vector.broadcast %mul3A_36 : i32 to vector<8x128xi32>
    %add3A_38 = arith.addi %add3A, %iota3A_37 : vector<8x128xi32>
    %mul3A_39 = arith.constant 512 : i32
    %mul3A_40 = vector.broadcast %mul3A_39 : i32 to vector<8x128xi32>
    %mul3A_41 = arith.muli %add3A_38, %mul3A_40 : vector<8x128xi32>
    %add3A_42 = arith.addi %reduce_sum3A_35, %mul3A_41 : vector<8x128xi32>
    %swap3A_43 = arith.constant 0 : index
    %swap3A_44 = arith.constant 0 : index
    %swap3A_45 = vector.load %arg2[%swap3A_43, %swap3A_44] : memref<8x128xi32, #tpu.memory_space<vmem>>, vector<8x128xi32>
    tpu.vector_store %arg2[%swap3A_43, %swap3A_44], %add3A_42 {strides = array<i32>} : memref<8x128xi32, #tpu.memory_space<vmem>>, vector<8x128xi32>,
    return
  }
  func.func @transform_0(%arg0: i32) -> (i32, i32, i32) {
    %c0_i32 = arith.constant 0 : i32
    %c0_i32_0 = arith.constant 0 : i32
    %c0_i32_1 = arith.constant 0 : i32
    return %arg0, %c0_i32, %c0_i32_0 : i32, i32, i32
  }
  func.func @transform_1(%arg0: i32) -> (i32, i32) {
    %c0_i32 = arith.constant 0 : i32
    %c0_i32_0 = arith.constant 0 : i32
    return %arg0, %c0_i32 : i32, i32
  }
  func.func @transform_2(%arg0: i32) -> (i32, i32) {
    %c0_i32 = arith.constant 0 : i32
    %c0_i32_0 = arith.constant 0 : i32
    return %arg0, %c0_i32 : i32, i32
  }
}

module attributes {stable_mosaic.version = 14 : i64} {
  func.func @_proj_kernel(%arg0: i32, %arg1: memref<512x1024xf32, #tpu.memory_space<vmem>>, %arg2: memref<512x1xf32, #tpu.memory_space<vmem>>, %arg3: memref<2048x1024xf32, #tpu.memory_space<vmem>>, %arg4: memref<1x2048xf32, #tpu.memory_space<vmem>>, %arg5: memref<1x2048xf32, #tpu.memory_space<vmem>>, %arg6: memref<1x2048xf32, #tpu.memory_space<vmem>>, %arg7: memref<4x128x2048xf32, #tpu.memory_space<vmem>>) attributes {dimension_semantics = [#tpu.dimension_semantics<arbitrary>], iteration_bounds = array<i64: 8>, scalar_prefetch = 0 : i64, scratch_operands = 0 : i64, tpu.core_type = #tpu.core_type<tc>, window_params = [{transform_indices = @transform_0, window_bounds = array<i64: 512, 1024>}, {transform_indices = @transform_1, window_bounds = array<i64: 512, 1>}, {pipeline_mode = #tpu.pipeline_mode<synchronous>, transform_indices = @transform_2, window_bounds = array<i64: 2048, 1024>}, {pipeline_mode = #tpu.pipeline_mode<synchronous>, transform_indices = @transform_3, window_bounds = array<i64: 1, 2048>}, {pipeline_mode = #tpu.pipeline_mode<synchronous>, transform_indices = @transform_4, window_bounds = array<i64: 1, 2048>}, {pipeline_mode = #tpu.pipeline_mode<synchronous>, transform_indices = @transform_5, window_bounds = array<i64: 1, 2048>}, {transform_indices = @transform_6, window_bounds = array<i64: 4, 128, 2048>}]} {
    %get3A = arith.constant 0 : index
    %get3A_0 = arith.constant 0 : index
    %get3A_1 = vector.load %arg1[%get3A, %get3A_0] : memref<512x1024xf32, #tpu.memory_space<vmem>>, vector<512x1024xf32>
    %jit3A = arith.constant -5.000000e+00 : f32
    %jit3A_2 = arith.constant 5.000000e+00 : f32
    %max3A = vector.broadcast %jit3A : f32 to vector<512x1024xf32>
    %max3A_3 = arith.maximumf %max3A, %get3A_1 : vector<512x1024xf32>
    %min3A = vector.broadcast %jit3A_2 : f32 to vector<512x1024xf32>
    %min3A_4 = arith.minimumf %min3A, %max3A_3 : vector<512x1024xf32>
    %get3A_5 = arith.constant 0 : index
    %get3A_6 = arith.constant 0 : index
    %get3A_7 = vector.load %arg3[%get3A_5, %get3A_6] : memref<2048x1024xf32, #tpu.memory_space<vmem>>, vector<2048x1024xf32>
    %dot_general3A = arith.constant dense<0.000000e+00> : vector<512x2048xf32>
    %dot_general3A_8 = tpu.matmul %min3A_4, %get3A_7, %dot_general3A {dimension_numbers = #tpu.dot_dimension_numbers<[1], [1], [0], [0], [0, 0, 1, 0], [], []>, transpose_lhs_hint = false} : vector<512x1024xf32>, vector<2048x1024xf32>, vector<512x2048xf32> -> vector<512x2048xf32>
    %get3A_9 = arith.constant 0 : index
    %get3A_10 = arith.constant 0 : index
    %get3A_11 = vector.load %arg4[%get3A_9, %get3A_10] : memref<1x2048xf32, #tpu.memory_space<vmem>>, vector<1x2048xf32>
    %add3A = vector.broadcast %get3A_11 : vector<1x2048xf32> to vector<512x2048xf32>
    %add3A_12 = arith.addf %dot_general3A_8, %add3A : vector<512x2048xf32>
    %get3A_13 = arith.constant 0 : index
    %get3A_14 = arith.constant 0 : index
    %get3A_15 = vector.load %arg2[%get3A_13, %get3A_14] : memref<512x1xf32, #tpu.memory_space<vmem>>, vector<512x1xf32>
    %mul3A = vector.broadcast %get3A_15 : vector<512x1xf32> to vector<512x2048xf32>
    %mul3A_16 = arith.mulf %add3A_12, %mul3A : vector<512x2048xf32>
    %jit3A_17 = arith.constant -5.000000e+00 : f32
    %jit3A_18 = arith.constant 5.000000e+00 : f32
    %max3A_19 = vector.broadcast %jit3A_17 : f32 to vector<512x2048xf32>
    %max3A_20 = arith.maximumf %max3A_19, %mul3A_16 : vector<512x2048xf32>
    %min3A_21 = vector.broadcast %jit3A_18 : f32 to vector<512x2048xf32>
    %min3A_22 = arith.minimumf %min3A_21, %max3A_20 : vector<512x2048xf32>
    %reduce_sum3A = arith.constant dense<0.000000e+00> : vector<512xf32>
    %reduce_sum3A_23 = vector.multi_reduction <add>, %min3A_22, %reduce_sum3A [1] : vector<512x2048xf32> to vector<512xf32>
    %broadcast_in_dim3A = vector.shape_cast %reduce_sum3A_23 : vector<512xf32> to vector<512x1xf32>
    %div3A = arith.constant 2.048000e+03 : f32
    %div3A_24 = vector.broadcast %div3A : f32 to vector<512x1xf32>
    %div3A_25 = arith.divf %broadcast_in_dim3A, %div3A_24 : vector<512x1xf32>
    %sub3A = vector.broadcast %div3A_25 : vector<512x1xf32> to vector<512x2048xf32>
    %sub3A_26 = arith.subf %min3A_22, %sub3A : vector<512x2048xf32>
    %mul3A_27 = arith.mulf %sub3A_26, %sub3A_26 : vector<512x2048xf32>
    %reduce_sum3A_28 = arith.constant dense<0.000000e+00> : vector<512xf32>
    %reduce_sum3A_29 = vector.multi_reduction <add>, %mul3A_27, %reduce_sum3A_28 [1] : vector<512x2048xf32> to vector<512xf32>
    %broadcast_in_dim3A_30 = vector.shape_cast %reduce_sum3A_29 : vector<512xf32> to vector<512x1xf32>
    %div3A_31 = arith.constant 2.048000e+03 : f32
    %div3A_32 = vector.broadcast %div3A_31 : f32 to vector<512x1xf32>
    %div3A_33 = arith.divf %broadcast_in_dim3A_30, %div3A_32 : vector<512x1xf32>
    %add3A_34 = arith.constant 9.99999974E-6 : f32
    %add3A_35 = vector.broadcast %add3A_34 : f32 to vector<512x1xf32>
    %add3A_36 = arith.addf %div3A_33, %add3A_35 : vector<512x1xf32>
    %rsqrt3A = math.rsqrt %add3A_36 : vector<512x1xf32>
    %mul3A_37 = vector.broadcast %rsqrt3A : vector<512x1xf32> to vector<512x2048xf32>
    %mul3A_38 = arith.mulf %sub3A_26, %mul3A_37 : vector<512x2048xf32>
    %get3A_39 = arith.constant 0 : index
    %get3A_40 = arith.constant 0 : index
    %get3A_41 = vector.load %arg5[%get3A_39, %get3A_40] : memref<1x2048xf32, #tpu.memory_space<vmem>>, vector<1x2048xf32>
    %mul3A_42 = vector.broadcast %get3A_41 : vector<1x2048xf32> to vector<512x2048xf32>
    %mul3A_43 = arith.mulf %mul3A_38, %mul3A_42 : vector<512x2048xf32>
    %get3A_44 = arith.constant 0 : index
    %get3A_45 = arith.constant 0 : index
    %get3A_46 = vector.load %arg6[%get3A_44, %get3A_45] : memref<1x2048xf32, #tpu.memory_space<vmem>>, vector<1x2048xf32>
    %add3A_47 = vector.broadcast %get3A_46 : vector<1x2048xf32> to vector<512x2048xf32>
    %add3A_48 = arith.addf %mul3A_43, %add3A_47 : vector<512x2048xf32>
    %reshape3A = vector.shape_cast %add3A_48 : vector<512x2048xf32> to vector<4x128x2048xf32>
    %swap3A = arith.constant 0 : index
    %swap3A_49 = arith.constant 0 : index
    %swap3A_50 = arith.constant 0 : index
    %swap3A_51 = vector.load %arg7[%swap3A, %swap3A_49, %swap3A_50] : memref<4x128x2048xf32, #tpu.memory_space<vmem>>, vector<4x128x2048xf32>
    tpu.vector_store %arg7[%swap3A, %swap3A_49, %swap3A_50], %reshape3A {strides = array<i32>} : memref<4x128x2048xf32, #tpu.memory_space<vmem>>, vector<4x128x2048xf32>,
    return
  }
  func.func @transform_0(%arg0: i32) -> (i32, i32) {
    %c0_i32 = arith.constant 0 : i32
    %c0_i32_0 = arith.constant 0 : i32
    return %arg0, %c0_i32 : i32, i32
  }
  func.func @transform_1(%arg0: i32) -> (i32, i32) {
    %c0_i32 = arith.constant 0 : i32
    %c0_i32_0 = arith.constant 0 : i32
    return %arg0, %c0_i32 : i32, i32
  }
  func.func @transform_2(%arg0: i32) -> (i32, i32) {
    %c0_i32 = arith.constant 0 : i32
    %c0_i32_0 = arith.constant 0 : i32
    %c0_i32_1 = arith.constant 0 : i32
    return %c0_i32, %c0_i32_0 : i32, i32
  }
  func.func @transform_3(%arg0: i32) -> (i32, i32) {
    %c0_i32 = arith.constant 0 : i32
    %c0_i32_0 = arith.constant 0 : i32
    %c0_i32_1 = arith.constant 0 : i32
    return %c0_i32, %c0_i32_0 : i32, i32
  }
  func.func @transform_4(%arg0: i32) -> (i32, i32) {
    %c0_i32 = arith.constant 0 : i32
    %c0_i32_0 = arith.constant 0 : i32
    %c0_i32_1 = arith.constant 0 : i32
    return %c0_i32, %c0_i32_0 : i32, i32
  }
  func.func @transform_5(%arg0: i32) -> (i32, i32) {
    %c0_i32 = arith.constant 0 : i32
    %c0_i32_0 = arith.constant 0 : i32
    %c0_i32_1 = arith.constant 0 : i32
    return %c0_i32, %c0_i32_0 : i32, i32
  }
  func.func @transform_6(%arg0: i32) -> (i32, i32, i32) {
    %add3A = arith.constant 0 : i32
    %add3A_0 = arith.addi %arg0, %add3A : i32
    %c0_i32 = arith.constant 0 : i32
    %c0_i32_1 = arith.constant 0 : i32
    %c0_i32_2 = arith.constant 0 : i32
    return %add3A_0, %c0_i32, %c0_i32_1 : i32, i32, i32
  }
}

module attributes {stable_mosaic.version = 14 : i64} {
  func.func @_lambda_(%arg0: i32, %arg1: memref<512x1024xf32, #tpu.memory_space<vmem>>, %arg2: memref<512x1xf32, #tpu.memory_space<vmem>>, %arg3: memref<2048x1024xf32, #tpu.memory_space<vmem>>, %arg4: memref<1x2048xf32, #tpu.memory_space<vmem>>, %arg5: memref<1x2048xf32, #tpu.memory_space<vmem>>, %arg6: memref<1x2048xf32, #tpu.memory_space<vmem>>, %arg7: memref<64x128x2048xf32, #tpu.memory_space<any>>, %arg8: memref<4x128x2048xf32, #tpu.memory_space<vmem>>) attributes {dimension_semantics = [#tpu.dimension_semantics<arbitrary>], iteration_bounds = array<i64: 8>, scalar_prefetch = 0 : i64, scratch_operands = 0 : i64, tpu.core_type = #tpu.core_type<tc>, window_params = [{transform_indices = @transform_0, window_bounds = array<i64: 512, 1024>}, {transform_indices = @transform_1, window_bounds = array<i64: 512, 1>}, {pipeline_mode = #tpu.pipeline_mode<synchronous>, transform_indices = @transform_2, window_bounds = array<i64: 2048, 1024>}, {pipeline_mode = #tpu.pipeline_mode<synchronous>, transform_indices = @transform_3, window_bounds = array<i64: 1, 2048>}, {pipeline_mode = #tpu.pipeline_mode<synchronous>, transform_indices = @transform_4, window_bounds = array<i64: 1, 2048>}, {pipeline_mode = #tpu.pipeline_mode<synchronous>, transform_indices = @transform_5, window_bounds = array<i64: 1, 2048>}, {}, {transform_indices = @transform_7, window_bounds = array<i64: 4, 128, 2048>}]} {
    %get3A = arith.constant 0 : index
    %get3A_0 = arith.constant 0 : index
    %get3A_1 = vector.load %arg1[%get3A, %get3A_0] : memref<512x1024xf32, #tpu.memory_space<vmem>>, vector<512x1024xf32>
    %jit3A = arith.constant -5.000000e+00 : f32
    %jit3A_2 = arith.constant 5.000000e+00 : f32
    %max3A = vector.broadcast %jit3A : f32 to vector<512x1024xf32>
    %max3A_3 = arith.maximumf %max3A, %get3A_1 : vector<512x1024xf32>
    %min3A = vector.broadcast %jit3A_2 : f32 to vector<512x1024xf32>
    %min3A_4 = arith.minimumf %min3A, %max3A_3 : vector<512x1024xf32>
    %get3A_5 = arith.constant 0 : index
    %get3A_6 = arith.constant 0 : index
    %get3A_7 = vector.load %arg3[%get3A_5, %get3A_6] : memref<2048x1024xf32, #tpu.memory_space<vmem>>, vector<2048x1024xf32>
    %dot_general3A = arith.constant dense<0.000000e+00> : vector<512x2048xf32>
    %dot_general3A_8 = tpu.matmul %min3A_4, %get3A_7, %dot_general3A {dimension_numbers = #tpu.dot_dimension_numbers<[1], [1], [0], [0], [0, 0, 1, 0], [], []>, transpose_lhs_hint = false} : vector<512x1024xf32>, vector<2048x1024xf32>, vector<512x2048xf32> -> vector<512x2048xf32>
    %get3A_9 = arith.constant 0 : index
    %get3A_10 = arith.constant 0 : index
    %get3A_11 = vector.load %arg4[%get3A_9, %get3A_10] : memref<1x2048xf32, #tpu.memory_space<vmem>>, vector<1x2048xf32>
    %add3A = vector.broadcast %get3A_11 : vector<1x2048xf32> to vector<512x2048xf32>
    %add3A_12 = arith.addf %dot_general3A_8, %add3A : vector<512x2048xf32>
    %get3A_13 = arith.constant 0 : index
    %get3A_14 = arith.constant 0 : index
    %get3A_15 = vector.load %arg2[%get3A_13, %get3A_14] : memref<512x1xf32, #tpu.memory_space<vmem>>, vector<512x1xf32>
    %mul3A = vector.broadcast %get3A_15 : vector<512x1xf32> to vector<512x2048xf32>
    %mul3A_16 = arith.mulf %add3A_12, %mul3A : vector<512x2048xf32>
    %jit3A_17 = arith.constant -5.000000e+00 : f32
    %jit3A_18 = arith.constant 5.000000e+00 : f32
    %max3A_19 = vector.broadcast %jit3A_17 : f32 to vector<512x2048xf32>
    %max3A_20 = arith.maximumf %max3A_19, %mul3A_16 : vector<512x2048xf32>
    %min3A_21 = vector.broadcast %jit3A_18 : f32 to vector<512x2048xf32>
    %min3A_22 = arith.minimumf %min3A_21, %max3A_20 : vector<512x2048xf32>
    %reduce_sum3A = arith.constant dense<0.000000e+00> : vector<512xf32>
    %reduce_sum3A_23 = vector.multi_reduction <add>, %min3A_22, %reduce_sum3A [1] : vector<512x2048xf32> to vector<512xf32>
    %broadcast_in_dim3A = vector.shape_cast %reduce_sum3A_23 : vector<512xf32> to vector<512x1xf32>
    %div3A = arith.constant 2.048000e+03 : f32
    %div3A_24 = vector.broadcast %div3A : f32 to vector<512x1xf32>
    %div3A_25 = arith.divf %broadcast_in_dim3A, %div3A_24 : vector<512x1xf32>
    %sub3A = vector.broadcast %div3A_25 : vector<512x1xf32> to vector<512x2048xf32>
    %sub3A_26 = arith.subf %min3A_22, %sub3A : vector<512x2048xf32>
    %mul3A_27 = arith.mulf %sub3A_26, %sub3A_26 : vector<512x2048xf32>
    %reduce_sum3A_28 = arith.constant dense<0.000000e+00> : vector<512xf32>
    %reduce_sum3A_29 = vector.multi_reduction <add>, %mul3A_27, %reduce_sum3A_28 [1] : vector<512x2048xf32> to vector<512xf32>
    %broadcast_in_dim3A_30 = vector.shape_cast %reduce_sum3A_29 : vector<512xf32> to vector<512x1xf32>
    %div3A_31 = arith.constant 2.048000e+03 : f32
    %div3A_32 = vector.broadcast %div3A_31 : f32 to vector<512x1xf32>
    %div3A_33 = arith.divf %broadcast_in_dim3A_30, %div3A_32 : vector<512x1xf32>
    %add3A_34 = arith.constant 9.99999974E-6 : f32
    %add3A_35 = vector.broadcast %add3A_34 : f32 to vector<512x1xf32>
    %add3A_36 = arith.addf %div3A_33, %add3A_35 : vector<512x1xf32>
    %rsqrt3A = math.rsqrt %add3A_36 : vector<512x1xf32>
    %mul3A_37 = vector.broadcast %rsqrt3A : vector<512x1xf32> to vector<512x2048xf32>
    %mul3A_38 = arith.mulf %sub3A_26, %mul3A_37 : vector<512x2048xf32>
    %get3A_39 = arith.constant 0 : index
    %get3A_40 = arith.constant 0 : index
    %get3A_41 = vector.load %arg5[%get3A_39, %get3A_40] : memref<1x2048xf32, #tpu.memory_space<vmem>>, vector<1x2048xf32>
    %mul3A_42 = vector.broadcast %get3A_41 : vector<1x2048xf32> to vector<512x2048xf32>
    %mul3A_43 = arith.mulf %mul3A_38, %mul3A_42 : vector<512x2048xf32>
    %get3A_44 = arith.constant 0 : index
    %get3A_45 = arith.constant 0 : index
    %get3A_46 = vector.load %arg6[%get3A_44, %get3A_45] : memref<1x2048xf32, #tpu.memory_space<vmem>>, vector<1x2048xf32>
    %add3A_47 = vector.broadcast %get3A_46 : vector<1x2048xf32> to vector<512x2048xf32>
    %add3A_48 = arith.addf %mul3A_43, %add3A_47 : vector<512x2048xf32>
    %reshape3A = vector.shape_cast %add3A_48 : vector<512x2048xf32> to vector<4x128x2048xf32>
    %swap3A = arith.constant 0 : index
    %swap3A_49 = arith.constant 0 : index
    %swap3A_50 = arith.constant 0 : index
    %swap3A_51 = vector.load %arg8[%swap3A, %swap3A_49, %swap3A_50] : memref<4x128x2048xf32, #tpu.memory_space<vmem>>, vector<4x128x2048xf32>
    tpu.vector_store %arg8[%swap3A, %swap3A_49, %swap3A_50], %reshape3A {strides = array<i32>} : memref<4x128x2048xf32, #tpu.memory_space<vmem>>, vector<4x128x2048xf32>,
    return
  }
  func.func @transform_0(%arg0: i32) -> (i32, i32) {
    %c0_i32 = arith.constant 0 : i32
    %c0_i32_0 = arith.constant 0 : i32
    return %arg0, %c0_i32 : i32, i32
  }
  func.func @transform_1(%arg0: i32) -> (i32, i32) {
    %c0_i32 = arith.constant 0 : i32
    %c0_i32_0 = arith.constant 0 : i32
    return %arg0, %c0_i32 : i32, i32
  }
  func.func @transform_2(%arg0: i32) -> (i32, i32) {
    %c0_i32 = arith.constant 0 : i32
    %c0_i32_0 = arith.constant 0 : i32
    %c0_i32_1 = arith.constant 0 : i32
    return %c0_i32, %c0_i32_0 : i32, i32
  }
  func.func @transform_3(%arg0: i32) -> (i32, i32) {
    %c0_i32 = arith.constant 0 : i32
    %c0_i32_0 = arith.constant 0 : i32
    %c0_i32_1 = arith.constant 0 : i32
    return %c0_i32, %c0_i32_0 : i32, i32
  }
  func.func @transform_4(%arg0: i32) -> (i32, i32) {
    %c0_i32 = arith.constant 0 : i32
    %c0_i32_0 = arith.constant 0 : i32
    %c0_i32_1 = arith.constant 0 : i32
    return %c0_i32, %c0_i32_0 : i32, i32
  }
  func.func @transform_5(%arg0: i32) -> (i32, i32) {
    %c0_i32 = arith.constant 0 : i32
    %c0_i32_0 = arith.constant 0 : i32
    %c0_i32_1 = arith.constant 0 : i32
    return %c0_i32, %c0_i32_0 : i32, i32
  }
  func.func @transform_7(%arg0: i32) -> (i32, i32, i32) {
    %add3A = arith.constant 8 : i32
    %add3A_0 = arith.addi %arg0, %add3A : i32
    %c0_i32 = arith.constant 0 : i32
    %c0_i32_1 = arith.constant 0 : i32
    %c0_i32_2 = arith.constant 0 : i32
    return %add3A_0, %c0_i32, %c0_i32_1 : i32, i32, i32
  }
}

</mosaic_0001>

<sc_bundles>
// kernel: kernel.11.cloned.1.call-start
scs
__scs_entry_jumppad:
0x0: {  	(pc) =	sbr.rel $0x88, $3  }
0x1: {  	(tag) =	ssettag $0x0;
	lr =	simm.s32 $0x1  }
0x2: {  	[smem:$0x3F9B] =	sst lr;
	_ =	strace $0xD0000000  }
0x3: {  	_ = 	snop  }
0x4: {  	_ = 	snop  }
0x5: {  	_ = 	snop  }
0x6: {  	_ = 	snop  }
0x7: {  	_ = 	snop  }
__scs_overlays_trampoline_lowered:
0x8: {  	[smem:$0x3FAA] =	sst s0  }
0x9: {  	[smem:$0x3FAB] =	sst s1  }
0xa: {  	[smem:$0x3FAC] =	sst s2  }
0xb: {  	[smem:$0x3FAD] =	sst s3  }
0xc: {  	[smem:$0x3FAE] =	sst s4  }
0xd: {  	[smem:$0x3FAF] =	sst s5  }
0xe: {  	[smem:$0x3FB0] =	sst s6  }
0xf: {  	[smem:$0x3FB1] =	sst s7  }
0x10: {  	[smem:$0x3FB2] =	sst s8  }
0x11: {  	[smem:$0x3FB3] =	sst s9;
	s0 =	simm.s32 @!p0 $0x0  }
0x12: {  	s1 =	sld [smem:$0x3F99];
	s0 =	simm.s32 @p0 $0x1  }
0x13: {  	[smem:$0x3FB4] =	sst s0;
	s0 =	simm.s32 @!p1 $0x0  }
0x14: {  	s2 =	sld [smem:$0x3F98];
	s0 =	simm.s32 @p1 $0x1  }
0x15: {  	[smem:$0x3FB5] =	sst s0;
	s0 =	simm.s32 @!p2 $0x0  }
0x16: {  	s3 =	sld [smem:$0x3FDB];
	s0 =	simm.s32 @p2 $0x1  }
0x17: {  	s4 =	simm.s32 $0x1BF5;
	[smem:$0x3FB7] =	sst s0  }
0x18: {  	s0 =	sld [smem:$0x3F9A];
	_ =	swait.ge [sflag:s4], $0x0  }
0x19: {  	s7 =	sld [smem:$0x3F9B]  }
0x1a: {  	s8 =	sadd.s32 $0xFFFFE003, lr  }
0x1b: {  	s9 =	sadd.s32 $0xFFFFFEF7, lr;
	s5 =	simm.s32 $0xFFFFFFFF;
	p2 =	slt.u32 s8, $0xFFFFF086  }
0x1c: {  	p1 =	slt.u32 s9, $0xF7A;
	s5 =	simm.s32 @!p2 $0x0  }
0x1d: {  	s5 =	simm.s32 @p1 $0x1;
	p0 =	seq.s32 s7, s2  }
0x1e: {  	s7 =	smul.u32 @!p0 $0xF7A, s2;
	p2 =	seq.s32 @!p0 s5, $0x0  }
0x1f: {  	s9 =	smul.u32 $0xF7A, s1;
	s8 =	simm.s32 @!p0 $0x1BF5;
	p2 =	por !p2, p0  }
0x20: {  	[sflag:s8] =	ssyncset.s32 @!p0 $0xFFFFF086;
	s6 =	sadd.s32 @!p0 s3, s7;
	s7 =	simm.s32 @!p0 $0x108  }
0x21: {  	s3 =	sadd.s32 s3, s9;
	s6 =	sadd.s32 @!p0 $0x88, s6;
	s7 =	simm.s32 @p2 $0x1082  }
0x22: {  	[simem:s7], [sflag:s8] =	dma.local @!p0 [hbm:s6], $0xF7A  }
0x23: {  	s9 =	sor.u32 $0xD0000000, s2;
	s6 =	simm.s32 $0x108;
	_ =	swait.ge @!p0 [sflag:s8], $0x0  }
0x24: {  	s3 =	sadd.s32 $0x88, s3;
	s6 =	simm.s32 @!p1 $0x1082;
	[sflag:s4] =	ssyncset.s32 $0xFFFFF086  }
0x25: {  	[simem:s6], [sflag:s4] =	dma.local [hbm:s3], $0xF7A  }
0x26: {  	[smem:$0x3F9B] =	sst s1;
	(tag) =	ssettag s2;
	_ =	strace s9  }
0x27: {  	s1 =	sld [smem:$0x3FAB]  }
0x28: {  	s2 =	sld [smem:$0x3FAC]  }
0x29: {  	s4 =	sld [smem:$0x3FAE]  }
0x2a: {  	p0 =	seq.s32 s5, $0x0;
	s5 =	sld [smem:$0x3FAF]  }
0x2b: {  	s6 =	sld [smem:$0x3FB0]  }
0x2c: {  	s7 =	sld [smem:$0x3FB1]  }
0x2d: {  	s3 =	simm.s32 $0x108;
	s8 =	sld [smem:$0x3FB2]  }
0x2e: {  	s3 =	simm.s32 @!p0 $0x1082;
	s9 =	sld [smem:$0x3FB3]  }
0x2f: {  	lr =	sadd.s32 s0, s3;
	s0 =	sld [smem:$0x3FAA]  }
0x30: {  	s3 =	sld [smem:$0x3FAD]  }
0x31: {  	[smem:$0x3FB6] =	sst s10  }
0x32: {  	s10 =	sld [smem:$0x3FB4];
	_ =	sdelay $0x3  }
0x33: {  	p0 =	seq.s32 s10, $0x1;
	s10 =	sld [smem:$0x3FB6];
	_ =	sdelay $0x3  }
0x34: {  	[smem:$0x3FB6] =	sst s10  }
0x35: {  	s10 =	sld [smem:$0x3FB5];
	_ =	sdelay $0x3  }
0x36: {  	p1 =	seq.s32 s10, $0x1;
	s10 =	sld [smem:$0x3FB6];
	_ =	sdelay $0x3  }
0x37: {  	[smem:$0x3FB6] =	sst s10  }
0x38: {  	s10 =	sld [smem:$0x3FB7]  }
0x39: {  	_ = 	snop;
	(pc) =	sbr.ind lr, $3  }
0x3a: {  	_ = 	snop  }
0x3b: {  	_ = 	snop  }
0x3c: {  	p2 =	seq.s32 s10, $0x1;
	s10 =	sld [smem:$0x3FB6]  }
0x3d: {  	_ =	shalt  }
0x3e: {  	_ =	shalt  }
0x3f: {  	_ =	shalt  }
0x40: {  	_ =	shalt  }
0x41: {  	_ =	shalt  }
0x42: {  	_ =	shalt  }
0x43: {  	_ =	shalt  }
0x44: {  	_ =	shalt  }
0x45: {  	_ =	shalt  }
0x46: {  	_ =	shalt  }
0x47: {  	_ =	shalt  }
0x48: {  	_ =	shalt  }
0x49: {  	_ =	shalt  }
0x4a: {  	_ =	shalt  }
0x4b: {  	_ =	shalt  }
0x4c: {  	_ =	shalt  }
0x4d: {  	_ =	shalt  }
0x4e: {  	_ =	shalt  }
0x4f: {  	_ =	shalt  }
0x50: {  	_ =	shalt  }
0x51: {  	_ =	shalt  }
0x52: {  	_ =	shalt  }
0x53: {  	_ =	shalt  }
0x54: {  	_ =	shalt  }
0x55: {  	_ =	shalt  }
0x56: {  	_ =	shalt  }
0x57: {  	_ =	shalt  }
0x58: {  	_ =	shalt  }
0x59: {  	_ =	shalt  }
0x5a: {  	_ =	shalt  }
0x5b: {  	_ =	shalt  }
0x5c: {  	_ =	shalt  }
0x5d: {  	_ =	shalt  }
0x5e: {  	_ =	shalt  }
0x5f: {  	_ =	shalt  }
0x60: {  	_ =	shalt  }
0x61: {  	_ =	shalt  }
0x62: {  	_ =	shalt  }
0x63: {  	_ =	shalt  }
0x64: {  	_ =	shalt  }
0x65: {  	_ =	shalt  }
0x66: {  	_ =	shalt  }
0x67: {  	_ =	shalt  }
0x68: {  	_ =	shalt  }
0x69: {  	_ =	shalt  }
0x6a: {  	_ =	shalt  }
0x6b: {  	_ =	shalt  }
0x6c: {  	_ =	shalt  }
0x6d: {  	_ =	shalt  }
0x6e: {  	_ =	shalt  }
0x6f: {  	_ =	shalt  }
0x70: {  	_ =	shalt  }
0x71: {  	_ =	shalt  }
0x72: {  	_ =	shalt  }
0x73: {  	_ =	shalt  }
0x74: {  	_ =	shalt  }
0x75: {  	_ =	shalt  }
0x76: {  	_ =	shalt  }
0x77: {  	_ =	shalt  }
0x78: {  	_ =	shalt  }
0x79: {  	_ =	shalt  }
0x7a: {  	_ =	shalt  }
0x7b: {  	_ =	shalt  }
0x7c: {  	_ =	shalt  }
0x7d: {  	_ =	shalt  }
0x7e: {  	_ =	shalt  }
0x7f: {  	_ =	shalt  }
0x80: {  	_ =	shalt  }
0x81: {  	_ =	shalt  }
0x82: {  	_ =	shalt  }
0x83: {  	_ =	shalt  }
0x84: {  	_ =	shalt  }
0x85: {  	_ =	shalt  }
0x86: {  	_ =	shalt  }
0x87: {  	_ =	shalt  }
.Lfunc_end0:
.L_simem_size_0:
called_computation.1_lowered:
.L_overlay_start_0:
0x88: {  	s2 =	sld [smem:$0x3FD9]  }
0x89: {  	s3 =	sld [smem:$0x3FFE];
	_ =	sdelay $0x1  }
0x8a: {  	s1 =	srdreg.scid  }
0x8b: {  	s0 =	sand.u32 $0x1, s1  }
0x8c: {  	s17 =	sshll.u32 s0, $0xA;
	s2 =	sadd.s32 s3, s2  }
0x8d: {  	s2 =	sadd.s32 s2, s17  }
0x8e: {  	[smem:$0x3FC2] =	sst s2  }
0x8f: {  	_ = 	snop  }
0x90: {  	s18 =	sld [smem:$0x3FC9];
	(tm) =	ssettm $0x1  }
0x91: {  	s19 =	sld [smem:$0x3FFB];
	_ =	sdelay $0x3  }
0x92: {  	_ =	strace s19  }
0x93: {  	s2 =	sld [smem:$0x3FFC];
	_ =	sdelay $0x3  }
0x94: {  	_ =	strace s2  }
0x95: {  	s2 =	sld [smem:$0x3FFD];
	_ =	sdelay $0x3  }
0x96: {  	_ =	strace s2  }
0x97: {  	_ =	strace $0x8FFFFFFF  }
0x98: {  	s20 =	sld [smem:$0x3FDB];
	_ =	sdelay $0x1  }
0x99: {  	s4 =	simm.s32 $_scs_section_size  }
0x9a: {  	s5 =	simm.s32 $_size__tile_overlayer_lowered;
	s6 =	simm.s32 $_tile_overlayer_lowered  }
0x9b: {  	s7 =	simm.s32 $0x1BFF;
	s21 =	sshll.u32 s6, $0x1;
	s4 =	sadd.s32 s4, s20  }
0x9c: {  	s22 =	simm.s32 $0x0;
	s5 =	sshll.u32 s5, $0x1;
	s6 =	sadd.s32 s21, s4  }
0x9d: {  	[timem:s22], [sflag:s7] =	dma.local [hbm:s6], s5  }
0x9e: {  	_ =	swait.ge [sflag:s7], s5  }
0x9f: {  	s5 =	ssub.s32 $0x0, s5;
	[sflag:s7] =	ssyncset.done $0x0  }
0xa0: {  	[sflag:s7] =	ssyncadd.s32 s5;
	_ =	sdelay $0x1  }
0xa1: {  	s23 =	simm.s32 $0x1B8B  }
0xa2: {  	_ =	swait.ge [sflag:s23], $0x1  }
0xa3: {  	[sflag:s23] =	ssyncset.done $0x0  }
0xa4: {  	[sflag:s23] =	ssyncadd.s32 $0xFFFFFFFF  }
0xa5: {  	s5 =	sld [smem:$0x0]  }
0xa6: {  	s6 =	sand.u32 $0xFFFFFFFE, s1  }
0xa7: {  	p0 =	sne.s32 s1, s6  }
0xa8: {  	s6 =	sshll.u32 @p0 s6, $0xE  }
0xa9: {  	s6 =	sadd.s32 @p0 $0x11B8D, s6;
	s7 =	sshll.u32 @p0 s5, $0x11  }
0xaa: {  	s6 =	sor.u32 @p0 s7, s6  }
0xab: {  	[sflag:s6] =	ssyncadd.remote.s32 @p0 $0x1;
	_ =	sdelay $0x1  }
0xac: {  	s6 =	simm.s32 @p0 $0x1B8D  }
0xad: {  	_ =	swait.eq @p0 [sflag:s6], $0x1  }
0xae: {  	[sflag:s6] =	ssyncadd.s32 @p0 $0xFFFFFFFF  }
0xaf: {  	s7 =	sshll.u32 @!p0 s1, $0xE  }
0xb0: {  	s7 =	sor.u32 @!p0 $0x4000, s7;
	s6 =	simm.s32 @!p0 $0x1B8D  }
0xb1: {  	s5 =	sshll.u32 @!p0 s5, $0x11;
	s7 =	sadd.s32 @!p0 $0x11B8D, s7;
	_ =	swait.eq @!p0 [sflag:s6], $0x1  }
0xb2: {  	s5 =	sor.u32 @!p0 s5, s7;
	[sflag:s6] =	ssyncadd.s32 @!p0 $0xFFFFFFFF  }
0xb3: {  	s25 =	simm.s32 $0x1B8E;
	s24 =	sld [smem:$0x3FFE];
	[sflag:s5] =	ssyncadd.remote.s32 @!p0 $0x1  }
0xb4: {  	s26 =	simm.s32 $execute0_lowered;
	[smem:$0x3FD2] =	sst s25  }
0xb5: {  	s6 =	sshll.u32 s26, $0x1;
	_ =	strace $0x80000049;
	[dreg:$0x1] =	wrdreg $0xFFFFFFFF  }
0xb6: {  	s28 =	simm.s32 $_size_execute0_lowered;
	s4 =	sadd.s32 s4, s6;
	[dreg:$0x0] =	wrdreg $0x0  }
0xb7: {  	s6 =	sshll.u32 s28, $0x1;
	[dreg:$0x2] =	wrdreg s4  }
0xb8: {  	[dreg:$0x3] =	wrdreg s6  }
0xb9: {  	[dreg:$0x4] =	wrdreg $0xC0  }
0xba: {  	_ =	task [dreg:s22], $0x5FFFF  }
0xbb: {  	[dreg:$0x1] =	wrdreg $0xFFFFFFFF  }
0xbc: {  	[dreg:$0x0] =	wrdreg $0x60  }
0xbd: {  	[dreg:$0x2] =	wrdreg s18  }
0xbe: {  	[dreg:$0x3] =	wrdreg s24  }
0xbf: {  	[dreg:$0x4] =	wrdreg $0xA  }
0xc0: {  	_ =	task.clear_ibuf [dreg:s22], $0x5FFFF;
	_ =	strace $0x90000049  }
0xc1: {  	s29 =	simm.s32 $0xA;
	_ =	strace $0x8000004B  }
0xc2: {  	_ =	swait.ge [sflag:s29], $0x1  }
0xc3: {  	[sflag:s29] =	ssyncadd.s32 $0xFFFFFFFF  }
0xc4: {  	_ =	strace $0x9000004B  }
0xc5: {  	_ =	sfence  }
0xc6: {  	s30 =	sld [smem:$0x0];
	_ =	sdelay $0x2  }
0xc7: {  	s31 =	sshll.u32 s1, $0xD;
	s1 =	sshrl.u32 s1, $0x2  }
0xc8: {  	s4 =	sand.u32 $0x4000, s31;
	s1 =	sadd.s32 s1, s30  }
0xc9: {  	s0 =	sor.u32 s4, s0;
	s1 =	sshll.u32 s1, $0x11  }
0xca: {  	s0 =	sor.u32 s1, s0  }
0xcb: {  	s0 =	sadd.s32 $0x8F2B, s0  }
0xcc: {  	[sflag:s0] =	ssyncadd.remote.s32 $0x1  }
0xcd: {  	_ =	sfence.sel $0xFFFF  }
0xce: {  	[dreg:$0x0] =	wrdreg $0xFFFFFFFF;
	(pc) =	sbr.abs _section_cstart, $3  }
0xcf: {  	[dreg:$0x1] =	wrdreg $0xFFFFFFFF  }
0xd0: {  	_ =	task.clear_ibuf [dreg:s22], $0x2FFFF;
	_ =	strace $0x9FFFFFFF  }
0xd1: {  	(tm) =	ssettm $0x7FFFFFFF  }
tec
execute0_lowered:
.L_overlay_start_1:
0x0: {  	(tag) =	ssettag $0x1  }
0x1: {  	s1 =	rddreg [dreg:$0x0]  }
0x2: {  	s0 =	rddreg [dreg:$0x1];
	s3 =	simm.s32 $0x0;
	s2 =	srdreg.scid  }
0x3: {  	s4 =	stileid.u32;
	s28 =	simm.s32 $0x1900;
	s29 =	simm.s32 $0x2100  }
0x4: {  	s30 =	simm.s32 $0x2900;
	s31 =	simm.s32 $0x3100;
	s10 =	simm.s32 $0x4900  }
0x5: {  	s11 =	simm.s32 $0x5100;
	s12 =	simm.s32 $0x5900;
	s13 =	simm.s32 $0x6100  }
0x6: {  	s14 =	simm.s32 $0x6900;
	s15 =	simm.s32 $0x7100;
	[smem:$0x7FF] =	sst s3  }
0x7: {  	s2 =	sand.u32 $0x1, s2;
	s4 =	sshll.u32 s4, $0x8;
	s6 =	sadd.s32 $0x81E00, s0  }
0x8: {  	s0 =	sadd.s32 $0x82000, s0;
	s5 =	sshll.u32 s2, $0x7;
	s2 =	ssub.s32 $0x2, s2  }
0x9: {  	_ =	strace $0x8000004A;
	s4 =	sor.u32 s5, s4;
	s8 =	sshrl.u32 s2, $0x1  }
0xa: {  	s5 =	sshrl.u32 s4, $0x3;
	s7 =	sor.u32 $0x20, s4;
	s17 =	sshll.u32 s4, $0x7  }
0xb: {  	s19 =	sor.u32 $0x40, s4;
	s2 =	ssub.s32 s2, s8;
	s4 =	sor.u32 $0x60, s4  }
0xc: {  	s8 =	simm.s32 $0x5;
	s5 =	sadd.s32 s6, s5;
	s9 =	sshrl.u32 s7, $0x3  }
0xd: {  	s18 =	sadd.s32 s0, s17;
	s20 =	sshrl.u32 s19, $0x3;
	s7 =	sshll.u32 s7, $0x7  }
0xe: {  	s22 =	sshrl.u32 s4, $0x3;
	s24 =	sshll.u32 s19, $0x7;
	s26 =	sshll.u32 s4, $0x7  }
0xf: {  	s4 =	sadd.s32 $0x100, s1;
	s17 =	simm.s32 $0x80;
	[dreg:$0x3] =	wrdreg s5  }
0x10: {  	s19 =	simm.s32 $0x8100;
	s16 =	sadd.s32 s6, s9;
	[dreg:$0x5] =	wrdreg s18  }
0x11: {  	s5 =	sadd.s32 s6, s20;
	s21 =	sadd.s32 s0, s7;
	s23 =	sadd.s32 s6, s22  }
0x12: {  	s25 =	sadd.s32 s0, s24;
	s0 =	sadd.s32 s0, s26;
	[dreg:$0x4] =	wrdreg s16  }
0x13: {  	s6 =	sadd.s32 $0x300, s1;
	s7 =	smax.u32 s2, $0x1;
	[dreg:$0x6] =	wrdreg s5  }
0x14: {  	s9 =	simm.s32 $0x1;
	s20 =	simm.s32 $0x3;
	[dreg:$0x7] =	wrdreg s21  }
0x15: {  	s22 =	simm.s32 $0x4;
	s26 =	simm.s32 $0x100;
	[dreg:$0x8] =	wrdreg s23  }
0x16: {  	v2 =	vlaneseq.u32;
	s24 =	simm.s32 $0x900;
	s2 =	simm.s32 $0x4100;
	[dreg:$0x9] =	wrdreg s25  }
0x17: {  	vm0 =	vmmov $0xffff;
	v1 =	vshrl.u32 v2, $0x3;
	s18 =	simm.s32 $0x8900;
	s5 =	sadd.s32 $0x200, s1;
	[dreg:$0xa] =	wrdreg s0  }
0x18: {  	v0 =	vand.u32 $0x7, v2;
	v2 =	vor.u32 $0x8, v2;
	v1 =	vmul.u32 $0x8, v1;
	s21 =	simm.s32 $0x2;
	s25 =	simm.s32 $0x1100;
	s16 =	simm.s32 $0x7900  }
.LBB2_1:
0x19: {  	s23 =	rddreg [dreg:$0x3]  }
0x1a: {  	[tilespmem:s3], [sflag:$0x5] =	stream.linear.gather [hbm4b:s23+s3], $0x20, $0x38;
	[tilespmem:$0x10100] =	vst v63  }
0x1b: {  	_ =	swait.ge [sflag:s8], $0x20  }
0x1c: {  	[sflag:s8] =	ssyncset.done $0x0  }
0x1d: {  	[sflag:s8] =	ssyncadd.s32 $0xFFFFFFE0  }
0x1e: {  	v3 =	vld [tilespmem:$0x0];
	_ =	sdelay $0x4  }
0x1f: {  	v4 =	vshll.u32 v3, $0x3  }
0x20: {  	v3 =	vand.u32 $0x7, v3;
	v4 =	vand.u32 $0xFFFFFFC0, v4  }
0x21: {  	v3 =	vor.u32 v3, v4  }
0x22: {  	v4 =	vperm.xlane v3, v0;
	_ =	sdelay $0x1  }
0x23: {  	v4 =	vadd.s32 v1, v4;
	_ =	sdelay $0x4  }
0x24: {  	[tilespmem:s26], [sflag:$0x1] =	stream.indirect_vreg.gather [hbm4b:s1+s3], $0x80, v4, vm0, $0xb8;
	[tilespmem:$0x10100] =	vst v63  }
0x25: {  	v3 =	vperm.xlane v3, v2  }
0x26: {  	[tilespmem:s24], [sflag:$0x1] =	stream.indirect_vreg.gather [hbm4b:s4+s3], $0x80, v4, vm0, $0xb8;
	[tilespmem:$0x10100] =	vst v63  }
0x27: {  	v3 =	vadd.s32 v1, v3  }
0x28: {  	[tilespmem:s25], [sflag:$0x1] =	stream.indirect_vreg.gather [hbm4b:s5+s3], $0x80, v4, vm0, $0xb8;
	[tilespmem:$0x10100] =	vst v63  }
0x29: {  	_ = 	snop  }
0x2a: {  	[tilespmem:s28], [sflag:$0x1] =	stream.indirect_vreg.gather [hbm4b:s6+s3], $0x80, v4, vm0, $0xb8;
	[tilespmem:$0x10100] =	vst v63  }
0x2b: {  	_ = 	snop  }
0x2c: {  	[tilespmem:s29], [sflag:$0x1] =	stream.indirect_vreg.gather [hbm4b:s1+s3], $0x80, v3, vm0, $0xb8;
	[tilespmem:$0x10100] =	vst v63  }
0x2d: {  	_ = 	snop  }
0x2e: {  	[tilespmem:s30], [sflag:$0x1] =	stream.indirect_vreg.gather [hbm4b:s4+s3], $0x80, v3, vm0, $0xb8;
	[tilespmem:$0x10100] =	vst v63  }
0x2f: {  	_ = 	snop  }
0x30: {  	[tilespmem:s31], [sflag:$0x1] =	stream.indirect_vreg.gather [hbm4b:s5+s3], $0x80, v3, vm0, $0xb8;
	[tilespmem:$0x10100] =	vst v63  }
0x31: {  	s0 =	simm.s32 $0x3900  }
0x32: {  	[tilespmem:s0], [sflag:$0x1] =	stream.indirect_vreg.gather [hbm4b:s6+s3], $0x80, v3, vm0, $0xb8;
	[tilespmem:$0x10100] =	vst v63  }
0x33: {  	v3 =	vld [tilespmem:$0x10];
	_ =	sdelay $0x4  }
0x34: {  	v57 =	vshll.u32 v3, $0x3  }
0x35: {  	v3 =	vand.u32 $0x7, v3;
	v4 =	vand.u32 $0xFFFFFFC0, v57  }
0x36: {  	v3 =	vor.u32 v3, v4  }
0x37: {  	v4 =	vperm.xlane v3, v0;
	_ =	sdelay $0x1  }
0x38: {  	v4 =	vadd.s32 v1, v4;
	_ =	sdelay $0x4  }
0x39: {  	[tilespmem:s2], [sflag:$0x1] =	stream.indirect_vreg.gather [hbm4b:s1+s3], $0x80, v4, vm0, $0xb8;
	[tilespmem:$0x10100] =	vst v63  }
0x3a: {  	v3 =	vperm.xlane v3, v2  }
0x3b: {  	[tilespmem:s10], [sflag:$0x1] =	stream.indirect_vreg.gather [hbm4b:s4+s3], $0x80, v4, vm0, $0xb8;
	[tilespmem:$0x10100] =	vst v63  }
0x3c: {  	v3 =	vadd.s32 v1, v3  }
0x3d: {  	[tilespmem:s11], [sflag:$0x1] =	stream.indirect_vreg.gather [hbm4b:s5+s3], $0x80, v4, vm0, $0xb8;
	[tilespmem:$0x10100] =	vst v63  }
0x3e: {  	_ = 	snop  }
0x3f: {  	[tilespmem:s12], [sflag:$0x1] =	stream.indirect_vreg.gather [hbm4b:s6+s3], $0x80, v4, vm0, $0xb8;
	[tilespmem:$0x10100] =	vst v63  }
0x40: {  	_ = 	snop  }
0x41: {  	[tilespmem:s13], [sflag:$0x1] =	stream.indirect_vreg.gather [hbm4b:s1+s3], $0x80, v3, vm0, $0xb8;
	[tilespmem:$0x10100] =	vst v63  }
0x42: {  	_ = 	snop  }
0x43: {  	[tilespmem:s14], [sflag:$0x1] =	stream.indirect_vreg.gather [hbm4b:s4+s3], $0x80, v3, vm0, $0xb8;
	[tilespmem:$0x10100] =	vst v63  }
0x44: {  	_ = 	snop  }
0x45: {  	[tilespmem:s15], [sflag:$0x1] =	stream.indirect_vreg.gather [hbm4b:s5+s3], $0x80, v3, vm0, $0xb8;
	[tilespmem:$0x10100] =	vst v63  }
0x46: {  	_ = 	snop  }
0x47: {  	[tilespmem:s16], [sflag:$0x1] =	stream.indirect_vreg.gather [hbm4b:s6+s3], $0x80, v3, vm0, $0xb8;
	[tilespmem:$0x10100] =	vst v63  }
0x48: {  	s23 =	rddreg [dreg:$0x4]  }
0x49: {  	[tilespmem:s17], [sflag:$0x5] =	stream.linear.gather [hbm4b:s23+s3], $0x20, $0x38;
	[tilespmem:$0x10100] =	vst v63  }
0x4a: {  	_ =	swait.ge [sflag:s8], $0x20  }
0x4b: {  	[sflag:s8] =	ssyncset.done $0x0  }
0x4c: {  	[sflag:s8] =	ssyncadd.s32 $0xFFFFFFE0  }
0x4d: {  	v3 =	vld [tilespmem:$0x80];
	_ =	sdelay $0x4  }
0x4e: {  	v58 =	vshll.u32 v3, $0x3  }
0x4f: {  	v3 =	vand.u32 $0x7, v3;
	v4 =	vand.u32 $0xFFFFFFC0, v58  }
0x50: {  	v3 =	vor.u32 v3, v4  }
0x51: {  	v4 =	vperm.xlane v3, v0;
	_ =	sdelay $0x1  }
0x52: {  	v4 =	vadd.s32 v1, v4;
	_ =	sdelay $0x4  }
0x53: {  	[tilespmem:s19], [sflag:$0x2] =	stream.indirect_vreg.gather [hbm4b:s1+s3], $0x80, v4, vm0, $0xb8;
	[tilespmem:$0x10100] =	vst v63  }
0x54: {  	v3 =	vperm.xlane v3, v2  }
0x55: {  	[tilespmem:s18], [sflag:$0x2] =	stream.indirect_vreg.gather [hbm4b:s4+s3], $0x80, v4, vm0, $0xb8;
	[tilespmem:$0x10100] =	vst v63  }
0x56: {  	s23 =	simm.s32 $0x9100;
	v3 =	vadd.s32 v1, v3  }
0x57: {  	[tilespmem:s23], [sflag:$0x2] =	stream.indirect_vreg.gather [hbm4b:s5+s3], $0x80, v4, vm0, $0xb8;
	[tilespmem:$0x10100] =	vst v63  }
0x58: {  	s23 =	simm.s32 $0x9900  }
0x59: {  	[tilespmem:s23], [sflag:$0x2] =	stream.indirect_vreg.gather [hbm4b:s6+s3], $0x80, v4, vm0, $0xb8;
	[tilespmem:$0x10100] =	vst v63  }
0x5a: {  	s23 =	simm.s32 $0xA100  }
0x5b: {  	[tilespmem:s23], [sflag:$0x2] =	stream.indirect_vreg.gather [hbm4b:s1+s3], $0x80, v3, vm0, $0xb8;
	[tilespmem:$0x10100] =	vst v63  }
0x5c: {  	s23 =	simm.s32 $0xA900  }
0x5d: {  	[tilespmem:s23], [sflag:$0x2] =	stream.indirect_vreg.gather [hbm4b:s4+s3], $0x80, v3, vm0, $0xb8;
	[tilespmem:$0x10100] =	vst v63  }
0x5e: {  	s23 =	simm.s32 $0xB100  }
0x5f: {  	[tilespmem:s23], [sflag:$0x2] =	stream.indirect_vreg.gather [hbm4b:s5+s3], $0x80, v3, vm0, $0xb8;
	[tilespmem:$0x10100] =	vst v63  }
0x60: {  	s23 =	simm.s32 $0xB900  }
0x61: {  	[tilespmem:s23], [sflag:$0x2] =	stream.indirect_vreg.gather [hbm4b:s6+s3], $0x80, v3, vm0, $0xb8;
	[tilespmem:$0x10100] =	vst v63  }
0x62: {  	v3 =	vld [tilespmem:$0x90];
	_ =	sdelay $0x4  }
0x63: {  	v59 =	vshll.u32 v3, $0x3  }
0x64: {  	v3 =	vand.u32 $0x7, v3;
	v4 =	vand.u32 $0xFFFFFFC0, v59  }
0x65: {  	v3 =	vor.u32 v3, v4  }
0x66: {  	v4 =	vperm.xlane v3, v0;
	_ =	sdelay $0x1  }
0x67: {  	v4 =	vadd.s32 v1, v4;
	_ =	sdelay $0x3  }
0x68: {  	s23 =	simm.s32 $0xC100  }
0x69: {  	[tilespmem:s23], [sflag:$0x2] =	stream.indirect_vreg.gather [hbm4b:s1+s3], $0x80, v4, vm0, $0xb8;
	[tilespmem:$0x10100] =	vst v63  }
0x6a: {  	v3 =	vperm.xlane v3, v2;
	s23 =	simm.s32 $0xC900  }
0x6b: {  	[tilespmem:s23], [sflag:$0x2] =	stream.indirect_vreg.gather [hbm4b:s4+s3], $0x80, v4, vm0, $0xb8;
	[tilespmem:$0x10100] =	vst v63  }
0x6c: {  	v3 =	vadd.s32 v1, v3;
	s23 =	simm.s32 $0xD100  }
0x6d: {  	[tilespmem:s23], [sflag:$0x2] =	stream.indirect_vreg.gather [hbm4b:s5+s3], $0x80, v4, vm0, $0xb8;
	[tilespmem:$0x10100] =	vst v63  }
0x6e: {  	s23 =	simm.s32 $0xD900  }
0x6f: {  	[tilespmem:s23], [sflag:$0x2] =	stream.indirect_vreg.gather [hbm4b:s6+s3], $0x80, v4, vm0, $0xb8;
	[tilespmem:$0x10100] =	vst v63  }
0x70: {  	s23 =	simm.s32 $0xE100  }
0x71: {  	[tilespmem:s23], [sflag:$0x2] =	stream.indirect_vreg.gather [hbm4b:s1+s3], $0x80, v3, vm0, $0xb8;
	[tilespmem:$0x10100] =	vst v63  }
0x72: {  	s23 =	simm.s32 $0xE900  }
0x73: {  	[tilespmem:s23], [sflag:$0x2] =	stream.indirect_vreg.gather [hbm4b:s4+s3], $0x80, v3, vm0, $0xb8;
	[tilespmem:$0x10100] =	vst v63  }
0x74: {  	s23 =	simm.s32 $0xF100  }
0x75: {  	[tilespmem:s23], [sflag:$0x2] =	stream.indirect_vreg.gather [hbm4b:s5+s3], $0x80, v3, vm0, $0xb8;
	[tilespmem:$0x10100] =	vst v63  }
0x76: {  	s23 =	simm.s32 $0xF900  }
0x77: {  	[tilespmem:s23], [sflag:$0x2] =	stream.indirect_vreg.gather [hbm4b:s6+s3], $0x80, v3, vm0, $0xb8;
	[tilespmem:$0x10100] =	vst v63  }
0x78: {  	_ =	swait.ge [sflag:s9], $0x8000  }
0x79: {  	[sflag:s9] =	ssyncset.done $0x0  }
0x7a: {  	s23 =	rddreg [dreg:$0x5];
	[sflag:s9] =	ssyncadd.s32 $0xFFFF8000  }
0x7b: {  	[hbm4b:s23+s3] =	stream.linear.scatter [tilespmem:s26], [sflag:$0x3], $0x8000, $0x38;
	[tilespmem:$0x10100] =	vst v63  }
0x7c: {  	_ =	swait.ge [sflag:s20], $0x8000  }
0x7d: {  	[sflag:s20] =	ssyncset.done $0x0  }
0x7e: {  	s23 =	rddreg [dreg:$0x6];
	[sflag:s20] =	ssyncadd.s32 $0xFFFF8000  }
0x7f: {  	[tilespmem:s3], [sflag:$0x5] =	stream.linear.gather [hbm4b:s23+s3], $0x20, $0x38;
	[tilespmem:$0x10100] =	vst v63  }
0x80: {  	_ =	swait.ge [sflag:s8], $0x20  }
0x81: {  	[sflag:s8] =	ssyncset.done $0x0  }
0x82: {  	[sflag:s8] =	ssyncadd.s32 $0xFFFFFFE0  }
0x83: {  	v3 =	vld [tilespmem:$0x0];
	_ =	sdelay $0x4  }
0x84: {  	v60 =	vshll.u32 v3, $0x3  }
0x85: {  	v3 =	vand.u32 $0x7, v3;
	v4 =	vand.u32 $0xFFFFFFC0, v60  }
0x86: {  	v3 =	vor.u32 v3, v4  }
0x87: {  	v4 =	vperm.xlane v3, v0;
	_ =	sdelay $0x1  }
0x88: {  	v4 =	vadd.s32 v1, v4;
	_ =	sdelay $0x4  }
0x89: {  	[tilespmem:s26], [sflag:$0x1] =	stream.indirect_vreg.gather [hbm4b:s1+s3], $0x80, v4, vm0, $0xb8;
	[tilespmem:$0x10100] =	vst v63  }
0x8a: {  	v3 =	vperm.xlane v3, v2  }
0x8b: {  	[tilespmem:s24], [sflag:$0x1] =	stream.indirect_vreg.gather [hbm4b:s4+s3], $0x80, v4, vm0, $0xb8;
	[tilespmem:$0x10100] =	vst v63  }
0x8c: {  	v3 =	vadd.s32 v1, v3  }
0x8d: {  	[tilespmem:s25], [sflag:$0x1] =	stream.indirect_vreg.gather [hbm4b:s5+s3], $0x80, v4, vm0, $0xb8;
	[tilespmem:$0x10100] =	vst v63  }
0x8e: {  	_ = 	snop  }
0x8f: {  	[tilespmem:s28], [sflag:$0x1] =	stream.indirect_vreg.gather [hbm4b:s6+s3], $0x80, v4, vm0, $0xb8;
	[tilespmem:$0x10100] =	vst v63  }
0x90: {  	_ = 	snop  }
0x91: {  	[tilespmem:s29], [sflag:$0x1] =	stream.indirect_vreg.gather [hbm4b:s1+s3], $0x80, v3, vm0, $0xb8;
	[tilespmem:$0x10100] =	vst v63  }
0x92: {  	_ = 	snop  }
0x93: {  	[tilespmem:s30], [sflag:$0x1] =	stream.indirect_vreg.gather [hbm4b:s4+s3], $0x80, v3, vm0, $0xb8;
	[tilespmem:$0x10100] =	vst v63  }
0x94: {  	_ = 	snop  }
0x95: {  	[tilespmem:s31], [sflag:$0x1] =	stream.indirect_vreg.gather [hbm4b:s5+s3], $0x80, v3, vm0, $0xb8;
	[tilespmem:$0x10100] =	vst v63  }
0x96: {  	_ = 	snop  }
0x97: {  	[tilespmem:s0], [sflag:$0x1] =	stream.indirect_vreg.gather [hbm4b:s6+s3], $0x80, v3, vm0, $0xb8;
	[tilespmem:$0x10100] =	vst v63  }
0x98: {  	v3 =	vld [tilespmem:$0x10];
	_ =	sdelay $0x4  }
0x99: {  	v61 =	vshll.u32 v3, $0x3  }
0x9a: {  	v3 =	vand.u32 $0x7, v3;
	v4 =	vand.u32 $0xFFFFFFC0, v61  }
0x9b: {  	v3 =	vor.u32 v3, v4  }
0x9c: {  	v4 =	vperm.xlane v3, v0;
	_ =	sdelay $0x1  }
0x9d: {  	v4 =	vadd.s32 v1, v4;
	_ =	sdelay $0x4  }
0x9e: {  	[tilespmem:s2], [sflag:$0x1] =	stream.indirect_vreg.gather [hbm4b:s1+s3], $0x80, v4, vm0, $0xb8;
	[tilespmem:$0x10100] =	vst v63  }
0x9f: {  	v3 =	vperm.xlane v3, v2  }
0xa0: {  	[tilespmem:s10], [sflag:$0x1] =	stream.indirect_vreg.gather [hbm4b:s4+s3], $0x80, v4, vm0, $0xb8;
	[tilespmem:$0x10100] =	vst v63  }
0xa1: {  	v3 =	vadd.s32 v1, v3  }
0xa2: {  	[tilespmem:s11], [sflag:$0x1] =	stream.indirect_vreg.gather [hbm4b:s5+s3], $0x80, v4, vm0, $0xb8;
	[tilespmem:$0x10100] =	vst v63  }
0xa3: {  	_ = 	snop  }
0xa4: {  	[tilespmem:s12], [sflag:$0x1] =	stream.indirect_vreg.gather [hbm4b:s6+s3], $0x80, v4, vm0, $0xb8;
	[tilespmem:$0x10100] =	vst v63  }
0xa5: {  	_ = 	snop  }
0xa6: {  	[tilespmem:s13], [sflag:$0x1] =	stream.indirect_vreg.gather [hbm4b:s1+s3], $0x80, v3, vm0, $0xb8;
	[tilespmem:$0x10100] =	vst v63  }
0xa7: {  	_ = 	snop  }
0xa8: {  	[tilespmem:s14], [sflag:$0x1] =	stream.indirect_vreg.gather [hbm4b:s4+s3], $0x80, v3, vm0, $0xb8;
	[tilespmem:$0x10100] =	vst v63  }
0xa9: {  	_ = 	snop  }
0xaa: {  	[tilespmem:s15], [sflag:$0x1] =	stream.indirect_vreg.gather [hbm4b:s5+s3], $0x80, v3, vm0, $0xb8;
	[tilespmem:$0x10100] =	vst v63  }
0xab: {  	_ = 	snop  }
0xac: {  	[tilespmem:s16], [sflag:$0x1] =	stream.indirect_vreg.gather [hbm4b:s6+s3], $0x80, v3, vm0, $0xb8;
	[tilespmem:$0x10100] =	vst v63  }
0xad: {  	_ =	swait.ge [sflag:s21], $0x8000  }
0xae: {  	[sflag:s21] =	ssyncset.done $0x0  }
0xaf: {  	s0 =	rddreg [dreg:$0x7];
	[sflag:s21] =	ssyncadd.s32 $0xFFFF8000  }
0xb0: {  	[hbm4b:s0+s3] =	stream.linear.scatter [tilespmem:s19], [sflag:$0x4], $0x8000, $0x38;
	[tilespmem:$0x10100] =	vst v63  }
0xb1: {  	_ =	swait.ge [sflag:s22], $0x8000  }
0xb2: {  	[sflag:s22] =	ssyncset.done $0x0  }
0xb3: {  	s0 =	rddreg [dreg:$0x8];
	[sflag:s22] =	ssyncadd.s32 $0xFFFF8000  }
0xb4: {  	[tilespmem:s17], [sflag:$0x5] =	stream.linear.gather [hbm4b:s0+s3], $0x20, $0x38;
	[tilespmem:$0x10100] =	vst v63  }
0xb5: {  	_ =	swait.ge [sflag:s8], $0x20  }
0xb6: {  	[sflag:s8] =	ssyncset.done $0x0  }
0xb7: {  	[sflag:s8] =	ssyncadd.s32 $0xFFFFFFE0  }
0xb8: {  	v3 =	vld [tilespmem:$0x80];
	_ =	sdelay $0x4  }
0xb9: {  	v62 =	vshll.u32 v3, $0x3  }
0xba: {  	v3 =	vand.u32 $0x7, v3;
	v4 =	vand.u32 $0xFFFFFFC0, v62  }
0xbb: {  	v3 =	vor.u32 v3, v4  }
0xbc: {  	v4 =	vperm.xlane v3, v0;
	_ =	sdelay $0x1  }
0xbd: {  	v4 =	vadd.s32 v1, v4;
	_ =	sdelay $0x4  }
0xbe: {  	[tilespmem:s19], [sflag:$0x2] =	stream.indirect_vreg.gather [hbm4b:s1+s3], $0x80, v4, vm0, $0xb8;
	[tilespmem:$0x10100] =	vst v63  }
0xbf: {  	v3 =	vperm.xlane v3, v2  }
0xc0: {  	[tilespmem:s18], [sflag:$0x2] =	stream.indirect_vreg.gather [hbm4b:s4+s3], $0x80, v4, vm0, $0xb8;
	[tilespmem:$0x10100] =	vst v63  }
0xc1: {  	s23 =	simm.s32 $0x9100;
	v3 =	vadd.s32 v1, v3  }
0xc2: {  	[tilespmem:s23], [sflag:$0x2] =	stream.indirect_vreg.gather [hbm4b:s5+s3], $0x80, v4, vm0, $0xb8;
	[tilespmem:$0x10100] =	vst v63  }
0xc3: {  	s23 =	simm.s32 $0x9900  }
0xc4: {  	[tilespmem:s23], [sflag:$0x2] =	stream.indirect_vreg.gather [hbm4b:s6+s3], $0x80, v4, vm0, $0xb8;
	[tilespmem:$0x10100] =	vst v63  }
0xc5: {  	s23 =	simm.s32 $0xA100  }
0xc6: {  	[tilespmem:s23], [sflag:$0x2] =	stream.indirect_vreg.gather [hbm4b:s1+s3], $0x80, v3, vm0, $0xb8;
	[tilespmem:$0x10100] =	vst v63  }
0xc7: {  	s23 =	simm.s32 $0xA900  }
0xc8: {  	[tilespmem:s23], [sflag:$0x2] =	stream.indirect_vreg.gather [hbm4b:s4+s3], $0x80, v3, vm0, $0xb8;
	[tilespmem:$0x10100] =	vst v63  }
0xc9: {  	s23 =	simm.s32 $0xB100  }
0xca: {  	[tilespmem:s23], [sflag:$0x2] =	stream.indirect_vreg.gather [hbm4b:s5+s3], $0x80, v3, vm0, $0xb8;
	[tilespmem:$0x10100] =	vst v63  }
0xcb: {  	s23 =	simm.s32 $0xB900  }
0xcc: {  	[tilespmem:s23], [sflag:$0x2] =	stream.indirect_vreg.gather [hbm4b:s6+s3], $0x80, v3, vm0, $0xb8;
	[tilespmem:$0x10100] =	vst v63  }
0xcd: {  	v3 =	vld [tilespmem:$0x90];
	_ =	sdelay $0x4  }
0xce: {  	v63 =	vshll.u32 v3, $0x3  }
0xcf: {  	v3 =	vand.u32 $0x7, v3;
	v4 =	vand.u32 $0xFFFFFFC0, v63  }
0xd0: {  	v3 =	vor.u32 v3, v4  }
0xd1: {  	v4 =	vperm.xlane v3, v0;
	_ =	sdelay $0x1  }
0xd2: {  	v4 =	vadd.s32 v1, v4;
	_ =	sdelay $0x3  }
0xd3: {  	s23 =	simm.s32 $0xC100  }
0xd4: {  	[tilespmem:s23], [sflag:$0x2] =	stream.indirect_vreg.gather [hbm4b:s1+s3], $0x80, v4, vm0, $0xb8;
	[tilespmem:$0x10100] =	vst v63  }
0xd5: {  	v3 =	vperm.xlane v3, v2;
	s23 =	simm.s32 $0xC900  }
0xd6: {  	[tilespmem:s23], [sflag:$0x2] =	stream.indirect_vreg.gather [hbm4b:s4+s3], $0x80, v4, vm0, $0xb8;
	[tilespmem:$0x10100] =	vst v63  }
0xd7: {  	v3 =	vadd.s32 v1, v3;
	s23 =	simm.s32 $0xD100  }
0xd8: {  	[tilespmem:s23], [sflag:$0x2] =	stream.indirect_vreg.gather [hbm4b:s5+s3], $0x80, v4, vm0, $0xb8;
	[tilespmem:$0x10100] =	vst v63  }
0xd9: {  	s23 =	simm.s32 $0xD900  }
0xda: {  	[tilespmem:s23], [sflag:$0x2] =	stream.indirect_vreg.gather [hbm4b:s6+s3], $0x80, v4, vm0, $0xb8;
	[tilespmem:$0x10100] =	vst v63  }
0xdb: {  	s23 =	simm.s32 $0xE100  }
0xdc: {  	[tilespmem:s23], [sflag:$0x2] =	stream.indirect_vreg.gather [hbm4b:s1+s3], $0x80, v3, vm0, $0xb8;
	[tilespmem:$0x10100] =	vst v63  }
0xdd: {  	s23 =	simm.s32 $0xE900  }
0xde: {  	[tilespmem:s23], [sflag:$0x2] =	stream.indirect_vreg.gather [hbm4b:s4+s3], $0x80, v3, vm0, $0xb8;
	[tilespmem:$0x10100] =	vst v63  }
0xdf: {  	s23 =	simm.s32 $0xF100  }
0xe0: {  	[tilespmem:s23], [sflag:$0x2] =	stream.indirect_vreg.gather [hbm4b:s5+s3], $0x80, v3, vm0, $0xb8;
	[tilespmem:$0x10100] =	vst v63  }
0xe1: {  	s23 =	simm.s32 $0xF900  }
0xe2: {  	[tilespmem:s23], [sflag:$0x2] =	stream.indirect_vreg.gather [hbm4b:s6+s3], $0x80, v3, vm0, $0xb8;
	[tilespmem:$0x10100] =	vst v63  }
0xe3: {  	_ =	swait.ge [sflag:s9], $0x8000  }
0xe4: {  	[sflag:s9] =	ssyncset.done $0x0  }
0xe5: {  	s0 =	rddreg [dreg:$0x9];
	[sflag:s9] =	ssyncadd.s32 $0xFFFF8000  }
0xe6: {  	[hbm4b:s0+s3] =	stream.linear.scatter [tilespmem:s26], [sflag:$0x3], $0x8000, $0x38;
	[tilespmem:$0x10100] =	vst v63  }
0xe7: {  	_ =	swait.ge [sflag:s21], $0x8000  }
0xe8: {  	[sflag:s21] =	ssyncset.done $0x0  }
0xe9: {  	s0 =	rddreg [dreg:$0xa];
	[sflag:s21] =	ssyncadd.s32 $0xFFFF8000  }
0xea: {  	[hbm4b:s0+s3] =	stream.linear.scatter [tilespmem:s19], [sflag:$0x4], $0x8000, $0x38;
	[tilespmem:$0x10100] =	vst v63  }
0xeb: {  	p0 =	sne.s32 s7, $0x1;
	_ =	swait.ge [sflag:s22], $0x8000  }
.Ltmp0:
0xec: {  	[sflag:s22] =	ssyncset.done $0x0;
	(pc) =	sbr.rel @p0 .LBB2_1-.Ltmp0, $4  }
0xed: {  	[sflag:s22] =	ssyncadd.s32 $0xFFFF8000  }
0xee: {  	_ =	swait.ge [sflag:s20], $0x8000  }
0xef: {  	[sflag:s20] =	ssyncset.done $0x0  }
0xf0: {  	s7 =	sadd.s32 $0xFFFFFFFF, s7;
	[sflag:s20] =	ssyncadd.s32 $0xFFFF8000  }
0xf1: {  	_ =	sfence.sel $0x180000  }
0xf2: {  	[bflag:$0x0] =	sbarrier.arrive $0xFFFF  }
0xf3: {  	_ =	strace $0x9000004A  }
0xf4: {  	s0 =	stileid.u32;
	[bflag:$0x2] =	sbarrier.arrive $0xFFFF  }
0xf5: {  	p0 =	sne.s32 s0, $0x0;
	s0 =	rddreg [dreg:$0x2]  }
0xf6: {  	s0 =	sadd.s32 @!p0 $0x100000, s0  }
0xf7: {  	[sflag:s0] =	ssyncadd.tile.s32 @!p0 $0x1;
	_ =	shalt  }
.Lfunc_end2:
_tile_overlayer_lowered:
.L_overlay_start_2:
0xf8: {  	(tag) =	ssettag $0x2  }
0xf9: {  	s0 =	rddreg [dreg:$0x0];
	s2 =	stileid.u32  }
0xfa: {  	s1 =	rddreg [dreg:$0x1];
	p0 =	sne.s32 s2, $0x0  }
0xfb: {  	s3 =	rddreg [dreg:$0x2];
	[bflag:$0x3] =	sbarrier.arrive $0xFFFF;
	s2 =	simm.s32 @!p0 $0x1C05  }
0xfc: {  	[timem:s3], [sflag:s2] =	dma.local @!p0 [hbm:s0], s1  }
0xfd: {  	s0 =	simm.s32 @!p0 $0x5  }
0xfe: {  	_ =	swait.ge @!p0 [sflag:s0], s1  }
0xff: {  	s1 =	ssub.s32 @!p0 $0x0, s1;
	[sflag:s0] =	ssyncset.done @!p0 $0x0  }
0x100: {  	[sflag:s0] =	ssyncadd.s32 @!p0 s1  }
0x101: {  	[bflag:$0x3] =	sbarrier.arrive $0xFFFF  }
0x102: {  	_ =	shalt  }

// kernel: kernel.8.cloned.1.call-start
scs
__scs_entry_jumppad:
0x0: {  	(pc) =	sbr.rel $0x88, $3  }
0x1: {  	(tag) =	ssettag $0x0;
	lr =	simm.s32 $0x1  }
0x2: {  	[smem:$0x3F9B] =	sst lr;
	_ =	strace $0xD0000000  }
0x3: {  	_ = 	snop  }
0x4: {  	_ = 	snop  }
0x5: {  	_ = 	snop  }
0x6: {  	_ = 	snop  }
0x7: {  	_ = 	snop  }
__scs_overlays_trampoline_lowered:
0x8: {  	[smem:$0x3FAA] =	sst s0  }
0x9: {  	[smem:$0x3FAB] =	sst s1  }
0xa: {  	[smem:$0x3FAC] =	sst s2  }
0xb: {  	[smem:$0x3FAD] =	sst s3  }
0xc: {  	[smem:$0x3FAE] =	sst s4  }
0xd: {  	[smem:$0x3FAF] =	sst s5  }
0xe: {  	[smem:$0x3FB0] =	sst s6  }
0xf: {  	[smem:$0x3FB1] =	sst s7  }
0x10: {  	[smem:$0x3FB2] =	sst s8  }
0x11: {  	[smem:$0x3FB3] =	sst s9;
	s0 =	simm.s32 @!p0 $0x0  }
0x12: {  	s1 =	sld [smem:$0x3F99];
	s0 =	simm.s32 @p0 $0x1  }
0x13: {  	[smem:$0x3FB4] =	sst s0;
	s0 =	simm.s32 @!p1 $0x0  }
0x14: {  	s2 =	sld [smem:$0x3F98];
	s0 =	simm.s32 @p1 $0x1  }
0x15: {  	[smem:$0x3FB5] =	sst s0;
	s0 =	simm.s32 @!p2 $0x0  }
0x16: {  	s3 =	sld [smem:$0x3FDB];
	s0 =	simm.s32 @p2 $0x1  }
0x17: {  	s4 =	simm.s32 $0x1BF5;
	[smem:$0x3FB7] =	sst s0  }
0x18: {  	s0 =	sld [smem:$0x3F9A];
	_ =	swait.ge [sflag:s4], $0x0  }
0x19: {  	s7 =	sld [smem:$0x3F9B]  }
0x1a: {  	s8 =	sadd.s32 $0xFFFFE003, lr  }
0x1b: {  	s9 =	sadd.s32 $0xFFFFFEF7, lr;
	s5 =	simm.s32 $0xFFFFFFFF;
	p2 =	slt.u32 s8, $0xFFFFF086  }
0x1c: {  	p1 =	slt.u32 s9, $0xF7A;
	s5 =	simm.s32 @!p2 $0x0  }
0x1d: {  	s5 =	simm.s32 @p1 $0x1;
	p0 =	seq.s32 s7, s2  }
0x1e: {  	s7 =	smul.u32 @!p0 $0xF7A, s2;
	p2 =	seq.s32 @!p0 s5, $0x0  }
0x1f: {  	s9 =	smul.u32 $0xF7A, s1;
	s8 =	simm.s32 @!p0 $0x1BF5;
	p2 =	por !p2, p0  }
0x20: {  	[sflag:s8] =	ssyncset.s32 @!p0 $0xFFFFF086;
	s6 =	sadd.s32 @!p0 s3, s7;
	s7 =	simm.s32 @!p0 $0x108  }
0x21: {  	s3 =	sadd.s32 s3, s9;
	s6 =	sadd.s32 @!p0 $0x88, s6;
	s7 =	simm.s32 @p2 $0x1082  }
0x22: {  	[simem:s7], [sflag:s8] =	dma.local @!p0 [hbm:s6], $0xF7A  }
0x23: {  	s9 =	sor.u32 $0xD0000000, s2;
	s6 =	simm.s32 $0x108;
	_ =	swait.ge @!p0 [sflag:s8], $0x0  }
0x24: {  	s3 =	sadd.s32 $0x88, s3;
	s6 =	simm.s32 @!p1 $0x1082;
	[sflag:s4] =	ssyncset.s32 $0xFFFFF086  }
0x25: {  	[simem:s6], [sflag:s4] =	dma.local [hbm:s3], $0xF7A  }
0x26: {  	[smem:$0x3F9B] =	sst s1;
	(tag) =	ssettag s2;
	_ =	strace s9  }
0x27: {  	s1 =	sld [smem:$0x3FAB]  }
0x28: {  	s2 =	sld [smem:$0x3FAC]  }
0x29: {  	s4 =	sld [smem:$0x3FAE]  }
0x2a: {  	p0 =	seq.s32 s5, $0x0;
	s5 =	sld [smem:$0x3FAF]  }
0x2b: {  	s6 =	sld [smem:$0x3FB0]  }
0x2c: {  	s7 =	sld [smem:$0x3FB1]  }
0x2d: {  	s3 =	simm.s32 $0x108;
	s8 =	sld [smem:$0x3FB2]  }
0x2e: {  	s3 =	simm.s32 @!p0 $0x1082;
	s9 =	sld [smem:$0x3FB3]  }
0x2f: {  	lr =	sadd.s32 s0, s3;
	s0 =	sld [smem:$0x3FAA]  }
0x30: {  	s3 =	sld [smem:$0x3FAD]  }
0x31: {  	[smem:$0x3FB6] =	sst s10  }
0x32: {  	s10 =	sld [smem:$0x3FB4];
	_ =	sdelay $0x3  }
0x33: {  	p0 =	seq.s32 s10, $0x1;
	s10 =	sld [smem:$0x3FB6];
	_ =	sdelay $0x3  }
0x34: {  	[smem:$0x3FB6] =	sst s10  }
0x35: {  	s10 =	sld [smem:$0x3FB5];
	_ =	sdelay $0x3  }
0x36: {  	p1 =	seq.s32 s10, $0x1;
	s10 =	sld [smem:$0x3FB6];
	_ =	sdelay $0x3  }
0x37: {  	[smem:$0x3FB6] =	sst s10  }
0x38: {  	s10 =	sld [smem:$0x3FB7]  }
0x39: {  	_ = 	snop;
	(pc) =	sbr.ind lr, $3  }
0x3a: {  	_ = 	snop  }
0x3b: {  	_ = 	snop  }
0x3c: {  	p2 =	seq.s32 s10, $0x1;
	s10 =	sld [smem:$0x3FB6]  }
0x3d: {  	_ =	shalt  }
0x3e: {  	_ =	shalt  }
0x3f: {  	_ =	shalt  }
0x40: {  	_ =	shalt  }
0x41: {  	_ =	shalt  }
0x42: {  	_ =	shalt  }
0x43: {  	_ =	shalt  }
0x44: {  	_ =	shalt  }
0x45: {  	_ =	shalt  }
0x46: {  	_ =	shalt  }
0x47: {  	_ =	shalt  }
0x48: {  	_ =	shalt  }
0x49: {  	_ =	shalt  }
0x4a: {  	_ =	shalt  }
0x4b: {  	_ =	shalt  }
0x4c: {  	_ =	shalt  }
0x4d: {  	_ =	shalt  }
0x4e: {  	_ =	shalt  }
0x4f: {  	_ =	shalt  }
0x50: {  	_ =	shalt  }
0x51: {  	_ =	shalt  }
0x52: {  	_ =	shalt  }
0x53: {  	_ =	shalt  }
0x54: {  	_ =	shalt  }
0x55: {  	_ =	shalt  }
0x56: {  	_ =	shalt  }
0x57: {  	_ =	shalt  }
0x58: {  	_ =	shalt  }
0x59: {  	_ =	shalt  }
0x5a: {  	_ =	shalt  }
0x5b: {  	_ =	shalt  }
0x5c: {  	_ =	shalt  }
0x5d: {  	_ =	shalt  }
0x5e: {  	_ =	shalt  }
0x5f: {  	_ =	shalt  }
0x60: {  	_ =	shalt  }
0x61: {  	_ =	shalt  }
0x62: {  	_ =	shalt  }
0x63: {  	_ =	shalt  }
0x64: {  	_ =	shalt  }
0x65: {  	_ =	shalt  }
0x66: {  	_ =	shalt  }
0x67: {  	_ =	shalt  }
0x68: {  	_ =	shalt  }
0x69: {  	_ =	shalt  }
0x6a: {  	_ =	shalt  }
0x6b: {  	_ =	shalt  }
0x6c: {  	_ =	shalt  }
0x6d: {  	_ =	shalt  }
0x6e: {  	_ =	shalt  }
0x6f: {  	_ =	shalt  }
0x70: {  	_ =	shalt  }
0x71: {  	_ =	shalt  }
0x72: {  	_ =	shalt  }
0x73: {  	_ =	shalt  }
0x74: {  	_ =	shalt  }
0x75: {  	_ =	shalt  }
0x76: {  	_ =	shalt  }
0x77: {  	_ =	shalt  }
0x78: {  	_ =	shalt  }
0x79: {  	_ =	shalt  }
0x7a: {  	_ =	shalt  }
0x7b: {  	_ =	shalt  }
0x7c: {  	_ =	shalt  }
0x7d: {  	_ =	shalt  }
0x7e: {  	_ =	shalt  }
0x7f: {  	_ =	shalt  }
0x80: {  	_ =	shalt  }
0x81: {  	_ =	shalt  }
0x82: {  	_ =	shalt  }
0x83: {  	_ =	shalt  }
0x84: {  	_ =	shalt  }
0x85: {  	_ =	shalt  }
0x86: {  	_ =	shalt  }
0x87: {  	_ =	shalt  }
.Lfunc_end0:
.L_simem_size_0:
called_computation_lowered:
.L_overlay_start_0:
0x88: {  	s2 =	sld [smem:$0x3FD9]  }
0x89: {  	s3 =	sld [smem:$0x3FFE];
	_ =	sdelay $0x1  }
0x8a: {  	s1 =	srdreg.scid  }
0x8b: {  	s0 =	sand.u32 $0x1, s1  }
0x8c: {  	s17 =	sshll.u32 s0, $0xA;
	s2 =	sadd.s32 s3, s2  }
0x8d: {  	s2 =	sadd.s32 s2, s17  }
0x8e: {  	[smem:$0x3FC2] =	sst s2  }
0x8f: {  	_ = 	snop  }
0x90: {  	s2 =	sld [smem:$0x3FC9]  }
0x91: {  	s18 =	sld [smem:$0x3FD0];
	(tm) =	ssettm $0x1  }
0x92: {  	s4 =	sld [smem:$0x3FFB];
	_ =	sdelay $0x3  }
0x93: {  	_ =	strace s4  }
0x94: {  	s4 =	sld [smem:$0x3FFC];
	_ =	sdelay $0x3  }
0x95: {  	_ =	strace s4  }
0x96: {  	s4 =	sld [smem:$0x3FFD];
	_ =	sdelay $0x3  }
0x97: {  	_ =	strace s4  }
0x98: {  	_ =	strace $0x8FFFFFFF  }
0x99: {  	s19 =	sld [smem:$0x3FDB];
	_ =	sdelay $0x1  }
0x9a: {  	s5 =	simm.s32 $_scs_section_size  }
0x9b: {  	s6 =	simm.s32 $_size__tile_overlayer_lowered;
	s7 =	simm.s32 $_tile_overlayer_lowered  }
0x9c: {  	s22 =	simm.s32 $0x1BFF;
	s21 =	sshll.u32 s7, $0x1;
	s4 =	sadd.s32 s5, s19  }
0x9d: {  	s8 =	simm.s32 $0x0;
	s20 =	sshll.u32 s6, $0x1;
	s6 =	sadd.s32 s21, s4  }
0x9e: {  	[timem:s8], [sflag:s22] =	dma.local [hbm:s6], s20  }
0x9f: {  	_ =	swait.ge [sflag:s22], s20  }
0xa0: {  	s5 =	ssub.s32 $0x0, s20;
	[sflag:s22] =	ssyncset.done $0x0  }
0xa1: {  	[sflag:s22] =	ssyncadd.s32 s5;
	_ =	sdelay $0x1  }
0xa2: {  	s23 =	simm.s32 $0x1B8B  }
0xa3: {  	_ =	swait.ge [sflag:s23], $0x1  }
0xa4: {  	[sflag:s23] =	ssyncset.done $0x0  }
0xa5: {  	s25 =	simm.s32 $0x1B8E;
	s24 =	sld [smem:$0x3FFE];
	[sflag:s23] =	ssyncadd.s32 $0xFFFFFFFF  }
0xa6: {  	s26 =	simm.s32 $execute0_lowered;
	[smem:$0x3FD2] =	sst s25  }
0xa7: {  	s6 =	sshll.u32 s26, $0x1;
	_ =	strace $0x80000046;
	[dreg:$0x1] =	wrdreg $0xFFFFFFFF  }
0xa8: {  	s28 =	simm.s32 $_size_execute0_lowered;
	s4 =	sadd.s32 s4, s6;
	[dreg:$0x0] =	wrdreg $0x0  }
0xa9: {  	s6 =	sshll.u32 s28, $0x1;
	[dreg:$0x2] =	wrdreg s4  }
0xaa: {  	[dreg:$0x3] =	wrdreg s6  }
0xab: {  	[dreg:$0x4] =	wrdreg $0xC0  }
0xac: {  	_ =	task [dreg:s8], $0x5FFFF  }
0xad: {  	[dreg:$0x1] =	wrdreg $0xFFFFFFFF  }
0xae: {  	[dreg:$0x0] =	wrdreg $0x60  }
0xaf: {  	[dreg:$0x2] =	wrdreg s2  }
0xb0: {  	[dreg:$0x3] =	wrdreg s18  }
0xb1: {  	[dreg:$0x4] =	wrdreg s24  }
0xb2: {  	[dreg:$0x5] =	wrdreg $0x9  }
0xb3: {  	_ =	task.clear_ibuf [dreg:s8], $0x6FFFF;
	_ =	strace $0x90000046  }
0xb4: {  	s29 =	simm.s32 $0x9;
	_ =	strace $0x80000048  }
0xb5: {  	_ =	swait.ge [sflag:s29], $0x1  }
0xb6: {  	[sflag:s29] =	ssyncadd.s32 $0xFFFFFFFF  }
0xb7: {  	_ =	strace $0x90000048  }
0xb8: {  	_ =	sfence  }
0xb9: {  	s30 =	sld [smem:$0x0];
	_ =	sdelay $0x2  }
0xba: {  	s31 =	sshll.u32 s1, $0xD;
	s1 =	sshrl.u32 s1, $0x2  }
0xbb: {  	s3 =	sand.u32 $0x4000, s31;
	s1 =	sadd.s32 s1, s30  }
0xbc: {  	s0 =	sor.u32 s3, s0;
	s1 =	sshll.u32 s1, $0x11  }
0xbd: {  	s0 =	sor.u32 s1, s0  }
0xbe: {  	s0 =	sadd.s32 $0x8F2B, s0  }
0xbf: {  	[sflag:s0] =	ssyncadd.remote.s32 $0x1  }
0xc0: {  	_ =	sfence.sel $0xFFFF  }
0xc1: {  	[dreg:$0x0] =	wrdreg $0xFFFFFFFF;
	(pc) =	sbr.abs _section_cstart, $3  }
0xc2: {  	[dreg:$0x1] =	wrdreg $0xFFFFFFFF  }
0xc3: {  	_ =	task.clear_ibuf [dreg:s8], $0x2FFFF;
	_ =	strace $0x9FFFFFFF  }
0xc4: {  	(tm) =	ssettm $0x7FFFFFFF  }
0xc5: {  	_ =	shalt  }
tec
execute0_lowered:
.L_overlay_start_1:
0x0: {  	(tag) =	ssettag $0x1  }
0x1: {  	s1 =	rddreg [dreg:$0x0]  }
0x2: {  	s0 =	rddreg [dreg:$0x1]  }
0x3: {  	s2 =	rddreg [dreg:$0x2];
	s4 =	srdreg.scid  }
0x4: {  	s3 =	simm.s32 $0x0;
	s5 =	stileid.u32;
	s28 =	simm.s32 $0x1900  }
0x5: {  	s29 =	simm.s32 $0x2100;
	s30 =	simm.s32 $0x2900;
	s31 =	simm.s32 $0x3100  }
0x6: {  	s10 =	simm.s32 $0x4900;
	s11 =	simm.s32 $0x5100;
	s12 =	simm.s32 $0x5900  }
0x7: {  	s13 =	simm.s32 $0x6100;
	s14 =	simm.s32 $0x6900;
	s15 =	simm.s32 $0x7100  }
0x8: {  	s4 =	sand.u32 $0x1, s4;
	[smem:$0x7FF] =	sst s3;
	s5 =	sshll.u32 s5, $0x8  }
0x9: {  	s2 =	sadd.s32 $0x1E00, s2;
	s6 =	sshll.u32 s4, $0x7;
	s4 =	ssub.s32 $0x2, s4  }
0xa: {  	_ =	strace $0x80000047;
	s5 =	sor.u32 s6, s5;
	s8 =	sshrl.u32 s4, $0x1  }
0xb: {  	s6 =	sshrl.u32 s5, $0x3;
	s7 =	sor.u32 $0x20, s5;
	s17 =	sshll.u32 s5, $0x7  }
0xc: {  	s19 =	sor.u32 $0x40, s5;
	s8 =	ssub.s32 s4, s8;
	s5 =	sor.u32 $0x60, s5  }
0xd: {  	s6 =	sadd.s32 s0, s6;
	s9 =	sshrl.u32 s7, $0x3;
	s18 =	sadd.s32 s2, s17  }
0xe: {  	s20 =	sshrl.u32 s19, $0x3;
	s21 =	sshll.u32 s7, $0x7;
	s23 =	sshrl.u32 s5, $0x3  }
0xf: {  	s24 =	sshll.u32 s19, $0x7;
	s5 =	sshll.u32 s5, $0x7;
	s7 =	smax.u32 s8, $0x1  }
0x10: {  	s8 =	simm.s32 $0x5;
	s17 =	simm.s32 $0x80;
	[dreg:$0x4] =	wrdreg s6  }
0x11: {  	s19 =	simm.s32 $0x8100;
	s16 =	sadd.s32 s0, s9;
	[dreg:$0x6] =	wrdreg s18  }
0x12: {  	s4 =	sadd.s32 s0, s20;
	s22 =	sadd.s32 s2, s21;
	s0 =	sadd.s32 s0, s23  }
0x13: {  	s25 =	sadd.s32 s2, s24;
	s26 =	sadd.s32 s2, s5;
	[dreg:$0x5] =	wrdreg s16  }
0x14: {  	s5 =	sadd.s32 $0x200, s1;
	s6 =	sadd.s32 $0x300, s1;
	[dreg:$0x7] =	wrdreg s4  }
0x15: {  	s9 =	simm.s32 $0x1;
	s20 =	simm.s32 $0x3;
	[dreg:$0x8] =	wrdreg s22  }
0x16: {  	s21 =	simm.s32 $0x2;
	s24 =	simm.s32 $0x900;
	[dreg:$0x9] =	wrdreg s0  }
0x17: {  	v2 =	vlaneseq.u32;
	s2 =	simm.s32 $0x4100;
	s18 =	simm.s32 $0x8900;
	[dreg:$0xa] =	wrdreg s25  }
0x18: {  	vm0 =	vmmov $0xffff;
	v1 =	vshrl.u32 v2, $0x3;
	s4 =	sadd.s32 $0x100, s1;
	[dreg:$0xb] =	wrdreg s26;
	s22 =	simm.s32 $0x4  }
0x19: {  	v0 =	vand.u32 $0x7, v2;
	v2 =	vor.u32 $0x8, v2;
	v1 =	vmul.u32 $0x8, v1;
	s26 =	simm.s32 $0x100;
	s25 =	simm.s32 $0x1100;
	s16 =	simm.s32 $0x7900  }
.LBB2_1:
0x1a: {  	s23 =	rddreg [dreg:$0x4]  }
0x1b: {  	[tilespmem:s3], [sflag:$0x5] =	stream.linear.gather [hbm4b:s23+s3], $0x20, $0x38;
	[tilespmem:$0x10100] =	vst v63  }
0x1c: {  	_ =	swait.ge [sflag:s8], $0x20  }
0x1d: {  	[sflag:s8] =	ssyncset.done $0x0  }
0x1e: {  	[sflag:s8] =	ssyncadd.s32 $0xFFFFFFE0  }
0x1f: {  	v3 =	vld [tilespmem:$0x0];
	_ =	sdelay $0x4  }
0x20: {  	v4 =	vshll.u32 v3, $0x3  }
0x21: {  	v3 =	vand.u32 $0x7, v3;
	v4 =	vand.u32 $0xFFFFFFC0, v4  }
0x22: {  	v3 =	vor.u32 v3, v4  }
0x23: {  	v4 =	vperm.xlane v3, v0;
	_ =	sdelay $0x1  }
0x24: {  	v4 =	vadd.s32 v1, v4;
	_ =	sdelay $0x4  }
0x25: {  	[tilespmem:s26], [sflag:$0x1] =	stream.indirect_vreg.gather [hbm4b:s1+s3], $0x80, v4, vm0, $0xb8;
	[tilespmem:$0x10100] =	vst v63  }
0x26: {  	v3 =	vperm.xlane v3, v2  }
0x27: {  	[tilespmem:s24], [sflag:$0x1] =	stream.indirect_vreg.gather [hbm4b:s4+s3], $0x80, v4, vm0, $0xb8;
	[tilespmem:$0x10100] =	vst v63  }
0x28: {  	v3 =	vadd.s32 v1, v3  }
0x29: {  	[tilespmem:s25], [sflag:$0x1] =	stream.indirect_vreg.gather [hbm4b:s5+s3], $0x80, v4, vm0, $0xb8;
	[tilespmem:$0x10100] =	vst v63  }
0x2a: {  	_ = 	snop  }
0x2b: {  	[tilespmem:s28], [sflag:$0x1] =	stream.indirect_vreg.gather [hbm4b:s6+s3], $0x80, v4, vm0, $0xb8;
	[tilespmem:$0x10100] =	vst v63  }
0x2c: {  	_ = 	snop  }
0x2d: {  	[tilespmem:s29], [sflag:$0x1] =	stream.indirect_vreg.gather [hbm4b:s1+s3], $0x80, v3, vm0, $0xb8;
	[tilespmem:$0x10100] =	vst v63  }
0x2e: {  	_ = 	snop  }
0x2f: {  	[tilespmem:s30], [sflag:$0x1] =	stream.indirect_vreg.gather [hbm4b:s4+s3], $0x80, v3, vm0, $0xb8;
	[tilespmem:$0x10100] =	vst v63  }
0x30: {  	_ = 	snop  }
0x31: {  	[tilespmem:s31], [sflag:$0x1] =	stream.indirect_vreg.gather [hbm4b:s5+s3], $0x80, v3, vm0, $0xb8;
	[tilespmem:$0x10100] =	vst v63  }
0x32: {  	s0 =	simm.s32 $0x3900  }
0x33: {  	[tilespmem:s0], [sflag:$0x1] =	stream.indirect_vreg.gather [hbm4b:s6+s3], $0x80, v3, vm0, $0xb8;
	[tilespmem:$0x10100] =	vst v63  }
0x34: {  	v3 =	vld [tilespmem:$0x10];
	_ =	sdelay $0x4  }
0x35: {  	v57 =	vshll.u32 v3, $0x3  }
0x36: {  	v3 =	vand.u32 $0x7, v3;
	v4 =	vand.u32 $0xFFFFFFC0, v57  }
0x37: {  	v3 =	vor.u32 v3, v4  }
0x38: {  	v4 =	vperm.xlane v3, v0;
	_ =	sdelay $0x1  }
0x39: {  	v4 =	vadd.s32 v1, v4;
	_ =	sdelay $0x4  }
0x3a: {  	[tilespmem:s2], [sflag:$0x1] =	stream.indirect_vreg.gather [hbm4b:s1+s3], $0x80, v4, vm0, $0xb8;
	[tilespmem:$0x10100] =	vst v63  }
0x3b: {  	v3 =	vperm.xlane v3, v2  }
0x3c: {  	[tilespmem:s10], [sflag:$0x1] =	stream.indirect_vreg.gather [hbm4b:s4+s3], $0x80, v4, vm0, $0xb8;
	[tilespmem:$0x10100] =	vst v63  }
0x3d: {  	v3 =	vadd.s32 v1, v3  }
0x3e: {  	[tilespmem:s11], [sflag:$0x1] =	stream.indirect_vreg.gather [hbm4b:s5+s3], $0x80, v4, vm0, $0xb8;
	[tilespmem:$0x10100] =	vst v63  }
0x3f: {  	_ = 	snop  }
0x40: {  	[tilespmem:s12], [sflag:$0x1] =	stream.indirect_vreg.gather [hbm4b:s6+s3], $0x80, v4, vm0, $0xb8;
	[tilespmem:$0x10100] =	vst v63  }
0x41: {  	_ = 	snop  }
0x42: {  	[tilespmem:s13], [sflag:$0x1] =	stream.indirect_vreg.gather [hbm4b:s1+s3], $0x80, v3, vm0, $0xb8;
	[tilespmem:$0x10100] =	vst v63  }
0x43: {  	_ = 	snop  }
0x44: {  	[tilespmem:s14], [sflag:$0x1] =	stream.indirect_vreg.gather [hbm4b:s4+s3], $0x80, v3, vm0, $0xb8;
	[tilespmem:$0x10100] =	vst v63  }
0x45: {  	_ = 	snop  }
0x46: {  	[tilespmem:s15], [sflag:$0x1] =	stream.indirect_vreg.gather [hbm4b:s5+s3], $0x80, v3, vm0, $0xb8;
	[tilespmem:$0x10100] =	vst v63  }
0x47: {  	_ = 	snop  }
0x48: {  	[tilespmem:s16], [sflag:$0x1] =	stream.indirect_vreg.gather [hbm4b:s6+s3], $0x80, v3, vm0, $0xb8;
	[tilespmem:$0x10100] =	vst v63  }
0x49: {  	s23 =	rddreg [dreg:$0x5]  }
0x4a: {  	[tilespmem:s17], [sflag:$0x5] =	stream.linear.gather [hbm4b:s23+s3], $0x20, $0x38;
	[tilespmem:$0x10100] =	vst v63  }
0x4b: {  	_ =	swait.ge [sflag:s8], $0x20  }
0x4c: {  	[sflag:s8] =	ssyncset.done $0x0  }
0x4d: {  	[sflag:s8] =	ssyncadd.s32 $0xFFFFFFE0  }
0x4e: {  	v3 =	vld [tilespmem:$0x80];
	_ =	sdelay $0x4  }
0x4f: {  	v58 =	vshll.u32 v3, $0x3  }
0x50: {  	v3 =	vand.u32 $0x7, v3;
	v4 =	vand.u32 $0xFFFFFFC0, v58  }
0x51: {  	v3 =	vor.u32 v3, v4  }
0x52: {  	v4 =	vperm.xlane v3, v0;
	_ =	sdelay $0x1  }
0x53: {  	v4 =	vadd.s32 v1, v4;
	_ =	sdelay $0x4  }
0x54: {  	[tilespmem:s19], [sflag:$0x2] =	stream.indirect_vreg.gather [hbm4b:s1+s3], $0x80, v4, vm0, $0xb8;
	[tilespmem:$0x10100] =	vst v63  }
0x55: {  	v3 =	vperm.xlane v3, v2  }
0x56: {  	[tilespmem:s18], [sflag:$0x2] =	stream.indirect_vreg.gather [hbm4b:s4+s3], $0x80, v4, vm0, $0xb8;
	[tilespmem:$0x10100] =	vst v63  }
0x57: {  	s23 =	simm.s32 $0x9100;
	v3 =	vadd.s32 v1, v3  }
0x58: {  	[tilespmem:s23], [sflag:$0x2] =	stream.indirect_vreg.gather [hbm4b:s5+s3], $0x80, v4, vm0, $0xb8;
	[tilespmem:$0x10100] =	vst v63  }
0x59: {  	s23 =	simm.s32 $0x9900  }
0x5a: {  	[tilespmem:s23], [sflag:$0x2] =	stream.indirect_vreg.gather [hbm4b:s6+s3], $0x80, v4, vm0, $0xb8;
	[tilespmem:$0x10100] =	vst v63  }
0x5b: {  	s23 =	simm.s32 $0xA100  }
0x5c: {  	[tilespmem:s23], [sflag:$0x2] =	stream.indirect_vreg.gather [hbm4b:s1+s3], $0x80, v3, vm0, $0xb8;
	[tilespmem:$0x10100] =	vst v63  }
0x5d: {  	s23 =	simm.s32 $0xA900  }
0x5e: {  	[tilespmem:s23], [sflag:$0x2] =	stream.indirect_vreg.gather [hbm4b:s4+s3], $0x80, v3, vm0, $0xb8;
	[tilespmem:$0x10100] =	vst v63  }
0x5f: {  	s23 =	simm.s32 $0xB100  }
0x60: {  	[tilespmem:s23], [sflag:$0x2] =	stream.indirect_vreg.gather [hbm4b:s5+s3], $0x80, v3, vm0, $0xb8;
	[tilespmem:$0x10100] =	vst v63  }
0x61: {  	s23 =	simm.s32 $0xB900  }
0x62: {  	[tilespmem:s23], [sflag:$0x2] =	stream.indirect_vreg.gather [hbm4b:s6+s3], $0x80, v3, vm0, $0xb8;
	[tilespmem:$0x10100] =	vst v63  }
0x63: {  	v3 =	vld [tilespmem:$0x90];
	_ =	sdelay $0x4  }
0x64: {  	v59 =	vshll.u32 v3, $0x3  }
0x65: {  	v3 =	vand.u32 $0x7, v3;
	v4 =	vand.u32 $0xFFFFFFC0, v59  }
0x66: {  	v3 =	vor.u32 v3, v4  }
0x67: {  	v4 =	vperm.xlane v3, v0;
	_ =	sdelay $0x1  }
0x68: {  	v4 =	vadd.s32 v1, v4;
	_ =	sdelay $0x3  }
0x69: {  	s23 =	simm.s32 $0xC100  }
0x6a: {  	[tilespmem:s23], [sflag:$0x2] =	stream.indirect_vreg.gather [hbm4b:s1+s3], $0x80, v4, vm0, $0xb8;
	[tilespmem:$0x10100] =	vst v63  }
0x6b: {  	v3 =	vperm.xlane v3, v2;
	s23 =	simm.s32 $0xC900  }
0x6c: {  	[tilespmem:s23], [sflag:$0x2] =	stream.indirect_vreg.gather [hbm4b:s4+s3], $0x80, v4, vm0, $0xb8;
	[tilespmem:$0x10100] =	vst v63  }
0x6d: {  	v3 =	vadd.s32 v1, v3;
	s23 =	simm.s32 $0xD100  }
0x6e: {  	[tilespmem:s23], [sflag:$0x2] =	stream.indirect_vreg.gather [hbm4b:s5+s3], $0x80, v4, vm0, $0xb8;
	[tilespmem:$0x10100] =	vst v63  }
0x6f: {  	s23 =	simm.s32 $0xD900  }
0x70: {  	[tilespmem:s23], [sflag:$0x2] =	stream.indirect_vreg.gather [hbm4b:s6+s3], $0x80, v4, vm0, $0xb8;
	[tilespmem:$0x10100] =	vst v63  }
0x71: {  	s23 =	simm.s32 $0xE100  }
0x72: {  	[tilespmem:s23], [sflag:$0x2] =	stream.indirect_vreg.gather [hbm4b:s1+s3], $0x80, v3, vm0, $0xb8;
	[tilespmem:$0x10100] =	vst v63  }
0x73: {  	s23 =	simm.s32 $0xE900  }
0x74: {  	[tilespmem:s23], [sflag:$0x2] =	stream.indirect_vreg.gather [hbm4b:s4+s3], $0x80, v3, vm0, $0xb8;
	[tilespmem:$0x10100] =	vst v63  }
0x75: {  	s23 =	simm.s32 $0xF100  }
0x76: {  	[tilespmem:s23], [sflag:$0x2] =	stream.indirect_vreg.gather [hbm4b:s5+s3], $0x80, v3, vm0, $0xb8;
	[tilespmem:$0x10100] =	vst v63  }
0x77: {  	s23 =	simm.s32 $0xF900  }
0x78: {  	[tilespmem:s23], [sflag:$0x2] =	stream.indirect_vreg.gather [hbm4b:s6+s3], $0x80, v3, vm0, $0xb8;
	[tilespmem:$0x10100] =	vst v63  }
0x79: {  	_ =	swait.ge [sflag:s9], $0x8000  }
0x7a: {  	[sflag:s9] =	ssyncset.done $0x0  }
0x7b: {  	s23 =	rddreg [dreg:$0x6];
	[sflag:s9] =	ssyncadd.s32 $0xFFFF8000  }
0x7c: {  	[hbm4b:s23+s3] =	stream.linear.scatter [tilespmem:s26], [sflag:$0x3], $0x8000, $0x38;
	[tilespmem:$0x10100] =	vst v63  }
0x7d: {  	_ =	swait.ge [sflag:s20], $0x8000  }
0x7e: {  	[sflag:s20] =	ssyncset.done $0x0  }
0x7f: {  	s23 =	rddreg [dreg:$0x7];
	[sflag:s20] =	ssyncadd.s32 $0xFFFF8000  }
0x80: {  	[tilespmem:s3], [sflag:$0x5] =	stream.linear.gather [hbm4b:s23+s3], $0x20, $0x38;
	[tilespmem:$0x10100] =	vst v63  }
0x81: {  	_ =	swait.ge [sflag:s8], $0x20  }
0x82: {  	[sflag:s8] =	ssyncset.done $0x0  }
0x83: {  	[sflag:s8] =	ssyncadd.s32 $0xFFFFFFE0  }
0x84: {  	v3 =	vld [tilespmem:$0x0];
	_ =	sdelay $0x4  }
0x85: {  	v60 =	vshll.u32 v3, $0x3  }
0x86: {  	v3 =	vand.u32 $0x7, v3;
	v4 =	vand.u32 $0xFFFFFFC0, v60  }
0x87: {  	v3 =	vor.u32 v3, v4  }
0x88: {  	v4 =	vperm.xlane v3, v0;
	_ =	sdelay $0x1  }
0x89: {  	v4 =	vadd.s32 v1, v4;
	_ =	sdelay $0x4  }
0x8a: {  	[tilespmem:s26], [sflag:$0x1] =	stream.indirect_vreg.gather [hbm4b:s1+s3], $0x80, v4, vm0, $0xb8;
	[tilespmem:$0x10100] =	vst v63  }
0x8b: {  	v3 =	vperm.xlane v3, v2  }
0x8c: {  	[tilespmem:s24], [sflag:$0x1] =	stream.indirect_vreg.gather [hbm4b:s4+s3], $0x80, v4, vm0, $0xb8;
	[tilespmem:$0x10100] =	vst v63  }
0x8d: {  	v3 =	vadd.s32 v1, v3  }
0x8e: {  	[tilespmem:s25], [sflag:$0x1] =	stream.indirect_vreg.gather [hbm4b:s5+s3], $0x80, v4, vm0, $0xb8;
	[tilespmem:$0x10100] =	vst v63  }
0x8f: {  	_ = 	snop  }
0x90: {  	[tilespmem:s28], [sflag:$0x1] =	stream.indirect_vreg.gather [hbm4b:s6+s3], $0x80, v4, vm0, $0xb8;
	[tilespmem:$0x10100] =	vst v63  }
0x91: {  	_ = 	snop  }
0x92: {  	[tilespmem:s29], [sflag:$0x1] =	stream.indirect_vreg.gather [hbm4b:s1+s3], $0x80, v3, vm0, $0xb8;
	[tilespmem:$0x10100] =	vst v63  }
0x93: {  	_ = 	snop  }
0x94: {  	[tilespmem:s30], [sflag:$0x1] =	stream.indirect_vreg.gather [hbm4b:s4+s3], $0x80, v3, vm0, $0xb8;
	[tilespmem:$0x10100] =	vst v63  }
0x95: {  	_ = 	snop  }
0x96: {  	[tilespmem:s31], [sflag:$0x1] =	stream.indirect_vreg.gather [hbm4b:s5+s3], $0x80, v3, vm0, $0xb8;
	[tilespmem:$0x10100] =	vst v63  }
0x97: {  	_ = 	snop  }
0x98: {  	[tilespmem:s0], [sflag:$0x1] =	stream.indirect_vreg.gather [hbm4b:s6+s3], $0x80, v3, vm0, $0xb8;
	[tilespmem:$0x10100] =	vst v63  }
0x99: {  	v3 =	vld [tilespmem:$0x10];
	_ =	sdelay $0x4  }
0x9a: {  	v61 =	vshll.u32 v3, $0x3  }
0x9b: {  	v3 =	vand.u32 $0x7, v3;
	v4 =	vand.u32 $0xFFFFFFC0, v61  }
0x9c: {  	v3 =	vor.u32 v3, v4  }
0x9d: {  	v4 =	vperm.xlane v3, v0;
	_ =	sdelay $0x1  }
0x9e: {  	v4 =	vadd.s32 v1, v4;
	_ =	sdelay $0x4  }
0x9f: {  	[tilespmem:s2], [sflag:$0x1] =	stream.indirect_vreg.gather [hbm4b:s1+s3], $0x80, v4, vm0, $0xb8;
	[tilespmem:$0x10100] =	vst v63  }
0xa0: {  	v3 =	vperm.xlane v3, v2  }
0xa1: {  	[tilespmem:s10], [sflag:$0x1] =	stream.indirect_vreg.gather [hbm4b:s4+s3], $0x80, v4, vm0, $0xb8;
	[tilespmem:$0x10100] =	vst v63  }
0xa2: {  	v3 =	vadd.s32 v1, v3  }
0xa3: {  	[tilespmem:s11], [sflag:$0x1] =	stream.indirect_vreg.gather [hbm4b:s5+s3], $0x80, v4, vm0, $0xb8;
	[tilespmem:$0x10100] =	vst v63  }
0xa4: {  	_ = 	snop  }
0xa5: {  	[tilespmem:s12], [sflag:$0x1] =	stream.indirect_vreg.gather [hbm4b:s6+s3], $0x80, v4, vm0, $0xb8;
	[tilespmem:$0x10100] =	vst v63  }
0xa6: {  	_ = 	snop  }
0xa7: {  	[tilespmem:s13], [sflag:$0x1] =	stream.indirect_vreg.gather [hbm4b:s1+s3], $0x80, v3, vm0, $0xb8;
	[tilespmem:$0x10100] =	vst v63  }
0xa8: {  	_ = 	snop  }
0xa9: {  	[tilespmem:s14], [sflag:$0x1] =	stream.indirect_vreg.gather [hbm4b:s4+s3], $0x80, v3, vm0, $0xb8;
	[tilespmem:$0x10100] =	vst v63  }
0xaa: {  	_ = 	snop  }
0xab: {  	[tilespmem:s15], [sflag:$0x1] =	stream.indirect_vreg.gather [hbm4b:s5+s3], $0x80, v3, vm0, $0xb8;
	[tilespmem:$0x10100] =	vst v63  }
0xac: {  	_ = 	snop  }
0xad: {  	[tilespmem:s16], [sflag:$0x1] =	stream.indirect_vreg.gather [hbm4b:s6+s3], $0x80, v3, vm0, $0xb8;
	[tilespmem:$0x10100] =	vst v63  }
0xae: {  	_ =	swait.ge [sflag:s21], $0x8000  }
0xaf: {  	[sflag:s21] =	ssyncset.done $0x0  }
0xb0: {  	s0 =	rddreg [dreg:$0x8];
	[sflag:s21] =	ssyncadd.s32 $0xFFFF8000  }
0xb1: {  	[hbm4b:s0+s3] =	stream.linear.scatter [tilespmem:s19], [sflag:$0x4], $0x8000, $0x38;
	[tilespmem:$0x10100] =	vst v63  }
0xb2: {  	_ =	swait.ge [sflag:s22], $0x8000  }
0xb3: {  	[sflag:s22] =	ssyncset.done $0x0  }
0xb4: {  	s0 =	rddreg [dreg:$0x9];
	[sflag:s22] =	ssyncadd.s32 $0xFFFF8000  }
0xb5: {  	[tilespmem:s17], [sflag:$0x5] =	stream.linear.gather [hbm4b:s0+s3], $0x20, $0x38;
	[tilespmem:$0x10100] =	vst v63  }
0xb6: {  	_ =	swait.ge [sflag:s8], $0x20  }
0xb7: {  	[sflag:s8] =	ssyncset.done $0x0  }
0xb8: {  	[sflag:s8] =	ssyncadd.s32 $0xFFFFFFE0  }
0xb9: {  	v3 =	vld [tilespmem:$0x80];
	_ =	sdelay $0x4  }
0xba: {  	v62 =	vshll.u32 v3, $0x3  }
0xbb: {  	v3 =	vand.u32 $0x7, v3;
	v4 =	vand.u32 $0xFFFFFFC0, v62  }
0xbc: {  	v3 =	vor.u32 v3, v4  }
0xbd: {  	v4 =	vperm.xlane v3, v0;
	_ =	sdelay $0x1  }
0xbe: {  	v4 =	vadd.s32 v1, v4;
	_ =	sdelay $0x4  }
0xbf: {  	[tilespmem:s19], [sflag:$0x2] =	stream.indirect_vreg.gather [hbm4b:s1+s3], $0x80, v4, vm0, $0xb8;
	[tilespmem:$0x10100] =	vst v63  }
0xc0: {  	v3 =	vperm.xlane v3, v2  }
0xc1: {  	[tilespmem:s18], [sflag:$0x2] =	stream.indirect_vreg.gather [hbm4b:s4+s3], $0x80, v4, vm0, $0xb8;
	[tilespmem:$0x10100] =	vst v63  }
0xc2: {  	s23 =	simm.s32 $0x9100;
	v3 =	vadd.s32 v1, v3  }
0xc3: {  	[tilespmem:s23], [sflag:$0x2] =	stream.indirect_vreg.gather [hbm4b:s5+s3], $0x80, v4, vm0, $0xb8;
	[tilespmem:$0x10100] =	vst v63  }
0xc4: {  	s23 =	simm.s32 $0x9900  }
0xc5: {  	[tilespmem:s23], [sflag:$0x2] =	stream.indirect_vreg.gather [hbm4b:s6+s3], $0x80, v4, vm0, $0xb8;
	[tilespmem:$0x10100] =	vst v63  }
0xc6: {  	s23 =	simm.s32 $0xA100  }
0xc7: {  	[tilespmem:s23], [sflag:$0x2] =	stream.indirect_vreg.gather [hbm4b:s1+s3], $0x80, v3, vm0, $0xb8;
	[tilespmem:$0x10100] =	vst v63  }
0xc8: {  	s23 =	simm.s32 $0xA900  }
0xc9: {  	[tilespmem:s23], [sflag:$0x2] =	stream.indirect_vreg.gather [hbm4b:s4+s3], $0x80, v3, vm0, $0xb8;
	[tilespmem:$0x10100] =	vst v63  }
0xca: {  	s23 =	simm.s32 $0xB100  }
0xcb: {  	[tilespmem:s23], [sflag:$0x2] =	stream.indirect_vreg.gather [hbm4b:s5+s3], $0x80, v3, vm0, $0xb8;
	[tilespmem:$0x10100] =	vst v63  }
0xcc: {  	s23 =	simm.s32 $0xB900  }
0xcd: {  	[tilespmem:s23], [sflag:$0x2] =	stream.indirect_vreg.gather [hbm4b:s6+s3], $0x80, v3, vm0, $0xb8;
	[tilespmem:$0x10100] =	vst v63  }
0xce: {  	v3 =	vld [tilespmem:$0x90];
	_ =	sdelay $0x4  }
0xcf: {  	v63 =	vshll.u32 v3, $0x3  }
0xd0: {  	v3 =	vand.u32 $0x7, v3;
	v4 =	vand.u32 $0xFFFFFFC0, v63  }
0xd1: {  	v3 =	vor.u32 v3, v4  }
0xd2: {  	v4 =	vperm.xlane v3, v0;
	_ =	sdelay $0x1  }
0xd3: {  	v4 =	vadd.s32 v1, v4;
	_ =	sdelay $0x3  }
0xd4: {  	s23 =	simm.s32 $0xC100  }
0xd5: {  	[tilespmem:s23], [sflag:$0x2] =	stream.indirect_vreg.gather [hbm4b:s1+s3], $0x80, v4, vm0, $0xb8;
	[tilespmem:$0x10100] =	vst v63  }
0xd6: {  	v3 =	vperm.xlane v3, v2;
	s23 =	simm.s32 $0xC900  }
0xd7: {  	[tilespmem:s23], [sflag:$0x2] =	stream.indirect_vreg.gather [hbm4b:s4+s3], $0x80, v4, vm0, $0xb8;
	[tilespmem:$0x10100] =	vst v63  }
0xd8: {  	v3 =	vadd.s32 v1, v3;
	s23 =	simm.s32 $0xD100  }
0xd9: {  	[tilespmem:s23], [sflag:$0x2] =	stream.indirect_vreg.gather [hbm4b:s5+s3], $0x80, v4, vm0, $0xb8;
	[tilespmem:$0x10100] =	vst v63  }
0xda: {  	s23 =	simm.s32 $0xD900  }
0xdb: {  	[tilespmem:s23], [sflag:$0x2] =	stream.indirect_vreg.gather [hbm4b:s6+s3], $0x80, v4, vm0, $0xb8;
	[tilespmem:$0x10100] =	vst v63  }
0xdc: {  	s23 =	simm.s32 $0xE100  }
0xdd: {  	[tilespmem:s23], [sflag:$0x2] =	stream.indirect_vreg.gather [hbm4b:s1+s3], $0x80, v3, vm0, $0xb8;
	[tilespmem:$0x10100] =	vst v63  }
0xde: {  	s23 =	simm.s32 $0xE900  }
0xdf: {  	[tilespmem:s23], [sflag:$0x2] =	stream.indirect_vreg.gather [hbm4b:s4+s3], $0x80, v3, vm0, $0xb8;
	[tilespmem:$0x10100] =	vst v63  }
0xe0: {  	s23 =	simm.s32 $0xF100  }
0xe1: {  	[tilespmem:s23], [sflag:$0x2] =	stream.indirect_vreg.gather [hbm4b:s5+s3], $0x80, v3, vm0, $0xb8;
	[tilespmem:$0x10100] =	vst v63  }
0xe2: {  	s23 =	simm.s32 $0xF900  }
0xe3: {  	[tilespmem:s23], [sflag:$0x2] =	stream.indirect_vreg.gather [hbm4b:s6+s3], $0x80, v3, vm0, $0xb8;
	[tilespmem:$0x10100] =	vst v63  }
0xe4: {  	_ =	swait.ge [sflag:s9], $0x8000  }
0xe5: {  	[sflag:s9] =	ssyncset.done $0x0  }
0xe6: {  	s0 =	rddreg [dreg:$0xa];
	[sflag:s9] =	ssyncadd.s32 $0xFFFF8000  }
0xe7: {  	[hbm4b:s0+s3] =	stream.linear.scatter [tilespmem:s26], [sflag:$0x3], $0x8000, $0x38;
	[tilespmem:$0x10100] =	vst v63  }
0xe8: {  	_ =	swait.ge [sflag:s21], $0x8000  }
0xe9: {  	[sflag:s21] =	ssyncset.done $0x0  }
0xea: {  	s0 =	rddreg [dreg:$0xb];
	[sflag:s21] =	ssyncadd.s32 $0xFFFF8000  }
0xeb: {  	[hbm4b:s0+s3] =	stream.linear.scatter [tilespmem:s19], [sflag:$0x4], $0x8000, $0x38;
	[tilespmem:$0x10100] =	vst v63  }
0xec: {  	p0 =	sne.s32 s7, $0x1;
	_ =	swait.ge [sflag:s22], $0x8000  }
.Ltmp0:
0xed: {  	[sflag:s22] =	ssyncset.done $0x0;
	(pc) =	sbr.rel @p0 .LBB2_1-.Ltmp0, $4  }
0xee: {  	[sflag:s22] =	ssyncadd.s32 $0xFFFF8000  }
0xef: {  	_ =	swait.ge [sflag:s20], $0x8000  }
0xf0: {  	[sflag:s20] =	ssyncset.done $0x0  }
0xf1: {  	s7 =	sadd.s32 $0xFFFFFFFF, s7;
	[sflag:s20] =	ssyncadd.s32 $0xFFFF8000  }
0xf2: {  	_ =	sfence.sel $0x180000  }
0xf3: {  	[bflag:$0x0] =	sbarrier.arrive $0xFFFF  }
0xf4: {  	_ =	strace $0x90000047  }
0xf5: {  	s0 =	stileid.u32;
	[bflag:$0x2] =	sbarrier.arrive $0xFFFF  }
0xf6: {  	p0 =	sne.s32 s0, $0x0;
	s0 =	rddreg [dreg:$0x3]  }
0xf7: {  	s0 =	sadd.s32 @!p0 $0x100000, s0  }
0xf8: {  	[sflag:s0] =	ssyncadd.tile.s32 @!p0 $0x1;
	_ =	shalt  }
.Lfunc_end2:
_tile_overlayer_lowered:
.L_overlay_start_2:
0xf9: {  	(tag) =	ssettag $0x2  }
0xfa: {  	s0 =	rddreg [dreg:$0x0];
	s2 =	stileid.u32  }
0xfb: {  	s1 =	rddreg [dreg:$0x1];
	p0 =	sne.s32 s2, $0x0  }
0xfc: {  	s3 =	rddreg [dreg:$0x2];
	[bflag:$0x3] =	sbarrier.arrive $0xFFFF;
	s2 =	simm.s32 @!p0 $0x1C05  }
0xfd: {  	[timem:s3], [sflag:s2] =	dma.local @!p0 [hbm:s0], s1  }
0xfe: {  	s0 =	simm.s32 @!p0 $0x5  }
0xff: {  	_ =	swait.ge @!p0 [sflag:s0], s1  }
0x100: {  	s1 =	ssub.s32 @!p0 $0x0, s1;
	[sflag:s0] =	ssyncset.done @!p0 $0x0  }
0x101: {  	[sflag:s0] =	ssyncadd.s32 @!p0 s1  }
0x102: {  	[bflag:$0x3] =	sbarrier.arrive $0xFFFF  }
0x103: {  	_ =	shalt  }

</sc_bundles>
